<compile_context>
chip_gen: v7x
topology: tpu7x:2x2x1
jax: 0.10.2.dev20260603
libtpu: 0.0.44.dev20260713+nightly
codegen_flags: <defaults>
</compile_context>

<pallas_src>
import functools

import jax
import jax.numpy as jnp
from jax import lax
from jax.experimental import pallas as pl
from jax.experimental.pallas import tpu as pltpu
from jax.experimental.pallas import tpu_sc as plsc

B, D, T = 16, 256, 1024
N = B * T
K = 8192
COMMIT = 0.25

TBLK = 512
KBLK = 1024
NRB = N // TBLK
NKB = K // KBLK
TPB = T // TBLK



def _bf16_rn(v):
    b = lax.bitcast_convert_type(v, jnp.uint32)
    r = (b + jnp.uint32(0x7FFF) + ((b >> jnp.uint32(16)) & jnp.uint32(1))) \
        & jnp.uint32(0xFFFF0000)
    return lax.bitcast_convert_type(r, jnp.float32)


_SEG = (0, 2736, 5472, K)


def _k1_body(x_ref, e_ref, esq_ref, xsq_ref, idx_ref, loss_ref,
             minv0, mini0, minv1, mini1, minv2, mini2, acc):
    rb = pl.program_id(0)
    kb = pl.program_id(1)
    x = x_ref[0]
    e = e_ref[...]
    mm = lax.dot_general(e, x, (((1,), (0,)), ((), ())),
                         preferred_element_type=jnp.float32)
    d = (xsq_ref[...] + esq_ref[...]) - 2.0 * mm
    kio = lax.broadcasted_iota(jnp.int32, d.shape, 0) + kb * KBLK
    segs = ((minv0, mini0), (minv1, mini1), (minv2, mini2))

    for s, (mv, mi) in enumerate(segs):
        @pl.when(kb == 0)
        def _(mv=mv, mi=mi):
            mv[...] = jnp.full((1, TBLK), jnp.inf, jnp.float32)
            mi[...] = jnp.zeros((1, TBLK), jnp.int32)
        lo, hi = _SEG[s], _SEG[s + 1]
        kb_lo = lo // KBLK
        kb_hi = (hi + KBLK - 1) // KBLK

        @pl.when((kb >= kb_lo) & (kb < kb_hi))
        def _(mv=mv, mi=mi, lo=lo, hi=hi):
            inseg = (kio >= lo) & (kio < hi)
            ds = jnp.where(inseg, d, jnp.inf)
            bmin = jnp.min(ds, axis=0)
            bidx = jnp.min(jnp.where(ds == bmin[None, :], kio, K), axis=0)
            bmin2 = bmin.reshape(1, -1)
            bidx2 = bidx.reshape(1, -1)
            upd = bmin2 < mv[...]
            mi[...] = jnp.where(upd, bidx2, mi[...])
            mv[...] = jnp.where(upd, bmin2, mv[...])

    @pl.when(kb == NKB - 1)
    def _():
        av = _bf16_rn(minv0[...])
        ai = mini0[...]
        vex = minv0[...]
        for mv, mi in segs[1:]:
            upd = mv[...] < av
            ai = jnp.where(upd, mi[...], ai)
            vex = jnp.where(upd, mv[...], vex)
            av = jnp.where(upd, _bf16_rn(mv[...]), av)
        idx_ref[0] = ai
        part = jnp.sum(vex)
        prev = jnp.where(rb == 0, 0.0, acc[0, 0])
        acc[0, 0] = prev + part

    @pl.when((kb == NKB - 1) & (rb == NRB - 1))
    def _():
        loss_ref[...] = (acc[0, 0] * (COMMIT / (N * D))) * jnp.ones((1, 1), jnp.float32)


def _k1(x_bf, e_bf, e_sq, x_sq):
    return pl.pallas_call(
        _k1_body,
        grid=(NRB, NKB),
        in_specs=[
            pl.BlockSpec((1, D, TBLK), lambda rb, kb: (rb // TPB, 0, rb % TPB)),
            pl.BlockSpec((KBLK, D), lambda rb, kb: (kb, 0)),
            pl.BlockSpec((KBLK, 1), lambda rb, kb: (kb, 0)),
            pl.BlockSpec((1, TBLK), lambda rb, kb: (0, rb)),
        ],
        out_specs=[
            pl.BlockSpec((1, 1, TBLK), lambda rb, kb: (rb // TPB, 0, rb % TPB)),
            pl.BlockSpec((1, 1), lambda rb, kb: (0, 0)),
        ],
        out_shape=[
            jax.ShapeDtypeStruct((B, 1, T), jnp.int32),
            jax.ShapeDtypeStruct((1, 1), jnp.float32),
        ],
        scratch_shapes=[
            pltpu.VMEM((1, TBLK), jnp.float32),
            pltpu.VMEM((1, TBLK), jnp.int32),
            pltpu.VMEM((1, TBLK), jnp.float32),
            pltpu.VMEM((1, TBLK), jnp.int32),
            pltpu.VMEM((1, TBLK), jnp.float32),
            pltpu.VMEM((1, TBLK), jnp.int32),
            pltpu.SMEM((1, 1), jnp.float32),
        ],
        compiler_params=pltpu.CompilerParams(
            dimension_semantics=("arbitrary", "arbitrary")),
    )(x_bf, e_bf, e_sq, x_sq)



_NC = 2
_NS = 16
_NW = _NC * _NS
_BPW = N // _NW
_CHUNK = 256
_NCHUNK = _BPW // _CHUNK
_BINS = K // _NW
_NVREG = N // 16


def _sc_gather_hist(table32, idx_flat):
    mesh = plsc.VectorSubcoreMesh(core_axis_name="c", subcore_axis_name="s")

    @functools.partial(
        pl.kernel, mesh=mesh,
        out_type=[
            jax.ShapeDtypeStruct((N, D), jnp.float32),
            jax.ShapeDtypeStruct((K,), jnp.float32),
        ],
        scratch_types=[
            pltpu.VMEM((_CHUNK,), jnp.int32),
            pltpu.VMEM((_CHUNK, D), jnp.float32),
            pltpu.VMEM((N,), jnp.int32),
            pltpu.VMEM((_BINS,), jnp.float32),
            pltpu.SemaphoreType.DMA,
        ],
        compiler_params=pltpu.CompilerParams(needs_layout_passes=False),
    )
    def sc_k(table_hbm, idx_hbm, rows_out, counts_out,
             idx_v, rows_v, idx_all, counts_v, sem):
        wid = lax.axis_index("s") * _NC + lax.axis_index("c")
        base = wid * _BPW
        for c in range(_NCHUNK):
            pltpu.sync_copy(idx_hbm.at[pl.ds(base + c * _CHUNK, _CHUNK)], idx_v)
            pltpu.async_copy(table_hbm.at[idx_v], rows_v, sem).wait()
            pltpu.sync_copy(rows_v, rows_out.at[pl.ds(base + c * _CHUNK, _CHUNK)])
        pltpu.sync_copy(idx_hbm, idx_all)
        for j in range(_BINS // 16):
            counts_v[pl.ds(j * 16, 16)] = jnp.zeros((16,), jnp.float32)
        lo = wid * _BINS

        def body(i, carry):
            v = idx_all[pl.ds(i * 16, 16)]
            m = (v >= lo) & (v < lo + _BINS)
            vl = jnp.where(m, v - lo, 0)
            one = jnp.where(m, 1.0, 0.0).astype(jnp.float32)
            plsc.addupdate_scatter(counts_v, [vl], one)
            return carry

        lax.fori_loop(0, _NVREG, body, 0, unroll=4)
        pltpu.sync_copy(counts_v, counts_out.at[pl.ds(lo, _BINS)])

    return sc_k(table32, idx_flat)



def _k3_body(rows_ref, counts_ref, q_ref, ppl_ref):
    b = pl.program_id(0)
    q_ref[0] = rows_ref[0].T

    @pl.when(b == 0)
    def _():
        p = counts_ref[...] * (1.0 / N)
        s = jnp.sum(p * jnp.log(p + 1e-10))
        ppl_ref[...] = jnp.exp(-s) * jnp.ones((1, 1), jnp.float32)


def _k3(rows3d, counts2d):
    return pl.pallas_call(
        _k3_body,
        grid=(B,),
        in_specs=[
            pl.BlockSpec((1, T, D), lambda b: (b, 0, 0)),
            pl.BlockSpec((1, K), lambda b: (0, 0)),
        ],
        out_specs=[
            pl.BlockSpec((1, D, T), lambda b: (b, 0, 0)),
            pl.BlockSpec((1, 1), lambda b: (0, 0)),
        ],
        out_shape=[
            jax.ShapeDtypeStruct((B, D, T), jnp.float32),
            jax.ShapeDtypeStruct((1, 1), jnp.float32),
        ],
        compiler_params=pltpu.CompilerParams(
            dimension_semantics=("arbitrary",)),
    )(rows3d, counts2d)



def kernel(inputs, embedding):
    x_bf = inputs.astype(jnp.bfloat16)
    e_bf = embedding.astype(jnp.bfloat16)
    table32 = e_bf.astype(jnp.float32)
    x_sq = jnp.sum(inputs ** 2, axis=1).reshape(1, N)
    e_sq = jnp.sum(embedding ** 2, axis=1).reshape(K, 1)

    idx3, loss1 = _k1(x_bf, e_bf, e_sq, x_sq)
    idx_flat = idx3.reshape(N)
    rows, counts = _sc_gather_hist(table32, idx_flat)
    q_st, ppl = _k3(rows.reshape(B, T, D), counts.reshape(1, K))
    return (loss1.reshape(()), q_st, ppl.reshape(()), idx3.reshape(B, T))

# --- scband reference (transcript-rebuilt; emitter-appended) ---
"""Pipeline reference for scband-vector-quantizer-ema-18004502905465 (READ-ONLY COPY).

The authoritative reference and input builder live on the scoring server;
editing this copy changes nothing except your own understanding.
"""

import jax, jax.numpy as jnp
import numpy as np

NUM_EMBEDDINGS = 8192
EMBEDDING_DIM = 256
COMMITMENT_COST = 0.25


def setup_inputs(seed: int = 0) -> dict:
    key = jax.random.key(seed)
    k1, k2 = jax.random.split(key)
    inputs = jax.random.normal(k1, (16, 256, 1024), dtype=jnp.float32)
    embedding = jax.random.normal(k2, (NUM_EMBEDDINGS, EMBEDDING_DIM), dtype=jnp.float32)
    return {"inputs": inputs, "embedding": embedding}


def reference(inputs, embedding):
    # inputs: [B, D, T]; embedding: [K, D]
    B, D, T = inputs.shape
    K = embedding.shape[0]
    flat_input = jnp.transpose(inputs, (0, 2, 1)).reshape(-1, D)  # [B*T, D]
    distances = (
        jnp.sum(flat_input ** 2, axis=1, keepdims=True)
        + jnp.sum(embedding ** 2, axis=1)
        - 2.0 * jnp.matmul(flat_input, embedding.T)
    )  # [B*T, K]
    encoding_indices = jnp.argmin(distances, axis=1)  # [B*T]
    encodings = jax.nn.one_hot(encoding_indices, K, dtype=jnp.float32)  # [B*T, K]
    quantized = jnp.matmul(encodings, embedding).reshape(B, T, D)
    quantized = jnp.transpose(quantized, (0, 2, 1))  # [B, D, T]
    e_latent_loss = jnp.mean((jax.lax.stop_gradient(quantized) - inputs) ** 2)
    loss = COMMITMENT_COST * e_latent_loss
    quantized_st = inputs + jax.lax.stop_gradient(quantized - inputs)
    avg_probs = jnp.mean(encodings, axis=0)
    perplexity = jnp.exp(-jnp.sum(avg_probs * jnp.log(avg_probs + 1e-10)))
    return (loss, quantized_st, perplexity, encoding_indices.reshape(B, T))

if __name__ == "__main__":
    import jax
    _d = setup_inputs()
    print(jax.jit(kernel)(*tuple(_d.values())))

</pallas_src>

<mosaic_0001>
#map = affine_map<(d0, d1) -> (0, 0)>
#map1 = affine_map<(d0, d1) -> (0)>
module attributes {stable_mosaic.version = 14 : i64} {
  func.func @sc_k(%arg0: i32, %arg1: i32, %arg2: memref<8192x256xf32, #tpu.memory_space<hbm>>, %arg3: memref<16384xi32, #tpu.memory_space<hbm>>, %arg4: memref<16384x256xf32, #tpu.memory_space<hbm>>, %arg5: memref<8192xf32, #tpu.memory_space<hbm>>, %arg6: memref<256xi32, #tpu.memory_space<vmem>>, %arg7: memref<256x256xf32, #tpu.memory_space<vmem>>, %arg8: memref<16384xi32, #tpu.memory_space<vmem>>, %arg9: memref<256xf32, #tpu.memory_space<vmem>>, %arg10: memref<!tpu.dma_semaphore, #tpu.memory_space<semaphore_mem>>) attributes {dimension_semantics = [#tpu.dimension_semantics<core_parallel>, #tpu.dimension_semantics<subcore_parallel>], iteration_bounds = array<i64: 2, 16>, scalar_prefetch = 0 : i64, scratch_operands = 5 : i64, tpu.core_type = #tpu.core_type<sc_vector_subcore>, window_params = [{transform_indices = #map}, {transform_indices = #map1}, {transform_indices = #map}, {transform_indices = #map1}]} {
    %mul3A = arith.constant 2 : i32
    %mul3A_0 = arith.muli %arg1, %mul3A : i32
    %add3A = arith.addi %mul3A_0, %arg0 : i32
    %mul3A_1 = arith.constant 512 : i32
    %mul3A_2 = arith.muli %add3A, %mul3A_1 : i32
    %add3A_3 = arith.constant 0 : i32
    %add3A_4 = arith.addi %mul3A_2, %add3A_3 : i32
    "tpu.region"() ({
      %run_scoped3A = tpu.sem_alloc : memref<!tpu.dma_semaphore, #tpu.memory_space<semaphore_mem>>
      %dma_start3A_90 = tpu.memref_slice %arg3[%add3A_4] : memref<16384xi32, #tpu.memory_space<hbm>> -> memref<256xi32, #tpu.memory_space<hbm>>
      %dma_start3A_91 = tpu.memref_slice %arg3[%add3A_4] : memref<16384xi32, #tpu.memory_space<hbm>> -> memref<256xi32, #tpu.memory_space<hbm>>
      tpu.enqueue_dma source(%dma_start3A_91 : memref<256xi32, #tpu.memory_space<hbm>>) target(%arg6 : memref<256xi32, #tpu.memory_space<vmem>>) target_semaphore(%run_scoped3A : memref<!tpu.dma_semaphore, #tpu.memory_space<semaphore_mem>>)
      %dma_wait3A_92 = tpu.memref_slice %arg3[%add3A_4] : memref<16384xi32, #tpu.memory_space<hbm>> -> memref<256xi32, #tpu.memory_space<hbm>>
      %dma_wait3A_93 = tpu.memref_slice %arg3[%add3A_4] : memref<16384xi32, #tpu.memory_space<hbm>> -> memref<256xi32, #tpu.memory_space<hbm>>
      tpu.wait_dma2 semaphore(%run_scoped3A : memref<!tpu.dma_semaphore, #tpu.memory_space<semaphore_mem>>) src(%dma_wait3A_93 : memref<256xi32, #tpu.memory_space<hbm>>) dst(%arg6 : memref<256xi32, #tpu.memory_space<vmem>>)
      tpu.yield
    }) : () -> ()
    %dma_start3A = arith.constant 0 : i32
    %dma_start3A_5 = arith.constant 0 : i32
    %dma_start3A_6 = tpu.memref_slice %arg2[%dma_start3A, %dma_start3A_5] : memref<8192x256xf32, #tpu.memory_space<hbm>> -> memref<8192x256xf32, #tpu.memory_space<hbm>>
    tpu.enqueue_indirect_dma source(%dma_start3A_6 : memref<8192x256xf32, #tpu.memory_space<hbm>>) target(%arg7 : memref<256x256xf32, #tpu.memory_space<vmem>>) offsets(%arg6 : memref<256xi32, #tpu.memory_space<vmem>>) semaphore(%arg10 : memref<!tpu.dma_semaphore, #tpu.memory_space<semaphore_mem>>)
    %dma_wait3A = arith.constant 0 : i32
    %dma_wait3A_7 = arith.constant 0 : i32
    %dma_wait3A_8 = tpu.memref_slice %arg2[%dma_wait3A, %dma_wait3A_7] : memref<8192x256xf32, #tpu.memory_space<hbm>> -> memref<8192x256xf32, #tpu.memory_space<hbm>>
    tpu.wait_indirect_dma semaphore(%arg10 : memref<!tpu.dma_semaphore, #tpu.memory_space<semaphore_mem>>) src(%dma_wait3A_8 : memref<8192x256xf32, #tpu.memory_space<hbm>>) dst(%arg7 : memref<256x256xf32, #tpu.memory_space<vmem>>)
    %add3A_9 = arith.constant 0 : i32
    %add3A_10 = arith.addi %mul3A_2, %add3A_9 : i32
    "tpu.region"() ({
      %run_scoped3A = tpu.sem_alloc : memref<!tpu.dma_semaphore, #tpu.memory_space<semaphore_mem>>
      %dma_start3A_90 = arith.constant 0 : i32
      %dma_start3A_91 = tpu.memref_slice %arg4[%add3A_10, %dma_start3A_90] : memref<16384x256xf32, #tpu.memory_space<hbm>> -> memref<256x256xf32, #tpu.memory_space<hbm>>
      %dma_start3A_92 = arith.constant 0 : i32
      %dma_start3A_93 = tpu.memref_slice %arg4[%add3A_10, %dma_start3A_92] : memref<16384x256xf32, #tpu.memory_space<hbm>> -> memref<256x256xf32, #tpu.memory_space<hbm>>
      tpu.enqueue_dma source(%arg7 : memref<256x256xf32, #tpu.memory_space<vmem>>) target(%dma_start3A_93 : memref<256x256xf32, #tpu.memory_space<hbm>>) target_semaphore(%run_scoped3A : memref<!tpu.dma_semaphore, #tpu.memory_space<semaphore_mem>>)
      %dma_wait3A_94 = arith.constant 0 : i32
      %dma_wait3A_95 = tpu.memref_slice %arg4[%add3A_10, %dma_wait3A_94] : memref<16384x256xf32, #tpu.memory_space<hbm>> -> memref<256x256xf32, #tpu.memory_space<hbm>>
      %dma_wait3A_96 = arith.constant 0 : i32
      %dma_wait3A_97 = tpu.memref_slice %arg4[%add3A_10, %dma_wait3A_96] : memref<16384x256xf32, #tpu.memory_space<hbm>> -> memref<256x256xf32, #tpu.memory_space<hbm>>
      tpu.wait_dma2 semaphore(%run_scoped3A : memref<!tpu.dma_semaphore, #tpu.memory_space<semaphore_mem>>) src(%arg7 : memref<256x256xf32, #tpu.memory_space<vmem>>) dst(%dma_wait3A_97 : memref<256x256xf32, #tpu.memory_space<hbm>>)
      tpu.yield
    }) : () -> ()
    %add3A_11 = arith.constant 256 : i32
    %add3A_12 = arith.addi %mul3A_2, %add3A_11 : i32
    "tpu.region"() ({
      %run_scoped3A = tpu.sem_alloc : memref<!tpu.dma_semaphore, #tpu.memory_space<semaphore_mem>>
      %dma_start3A_90 = tpu.memref_slice %arg3[%add3A_12] : memref<16384xi32, #tpu.memory_space<hbm>> -> memref<256xi32, #tpu.memory_space<hbm>>
      %dma_start3A_91 = tpu.memref_slice %arg3[%add3A_12] : memref<16384xi32, #tpu.memory_space<hbm>> -> memref<256xi32, #tpu.memory_space<hbm>>
      tpu.enqueue_dma source(%dma_start3A_91 : memref<256xi32, #tpu.memory_space<hbm>>) target(%arg6 : memref<256xi32, #tpu.memory_space<vmem>>) target_semaphore(%run_scoped3A : memref<!tpu.dma_semaphore, #tpu.memory_space<semaphore_mem>>)
      %dma_wait3A_92 = tpu.memref_slice %arg3[%add3A_12] : memref<16384xi32, #tpu.memory_space<hbm>> -> memref<256xi32, #tpu.memory_space<hbm>>
      %dma_wait3A_93 = tpu.memref_slice %arg3[%add3A_12] : memref<16384xi32, #tpu.memory_space<hbm>> -> memref<256xi32, #tpu.memory_space<hbm>>
      tpu.wait_dma2 semaphore(%run_scoped3A : memref<!tpu.dma_semaphore, #tpu.memory_space<semaphore_mem>>) src(%dma_wait3A_93 : memref<256xi32, #tpu.memory_space<hbm>>) dst(%arg6 : memref<256xi32, #tpu.memory_space<vmem>>)
      tpu.yield
    }) : () -> ()
    %dma_start3A_13 = arith.constant 0 : i32
    %dma_start3A_14 = arith.constant 0 : i32
    %dma_start3A_15 = tpu.memref_slice %arg2[%dma_start3A_13, %dma_start3A_14] : memref<8192x256xf32, #tpu.memory_space<hbm>> -> memref<8192x256xf32, #tpu.memory_space<hbm>>
    tpu.enqueue_indirect_dma source(%dma_start3A_15 : memref<8192x256xf32, #tpu.memory_space<hbm>>) target(%arg7 : memref<256x256xf32, #tpu.memory_space<vmem>>) offsets(%arg6 : memref<256xi32, #tpu.memory_space<vmem>>) semaphore(%arg10 : memref<!tpu.dma_semaphore, #tpu.memory_space<semaphore_mem>>)
    %dma_wait3A_16 = arith.constant 0 : i32
    %dma_wait3A_17 = arith.constant 0 : i32
    %dma_wait3A_18 = tpu.memref_slice %arg2[%dma_wait3A_16, %dma_wait3A_17] : memref<8192x256xf32, #tpu.memory_space<hbm>> -> memref<8192x256xf32, #tpu.memory_space<hbm>>
    tpu.wait_indirect_dma semaphore(%arg10 : memref<!tpu.dma_semaphore, #tpu.memory_space<semaphore_mem>>) src(%dma_wait3A_18 : memref<8192x256xf32, #tpu.memory_space<hbm>>) dst(%arg7 : memref<256x256xf32, #tpu.memory_space<vmem>>)
    %add3A_19 = arith.constant 256 : i32
    %add3A_20 = arith.addi %mul3A_2, %add3A_19 : i32
    "tpu.region"() ({
      %run_scoped3A = tpu.sem_alloc : memref<!tpu.dma_semaphore, #tpu.memory_space<semaphore_mem>>
      %dma_start3A_90 = arith.constant 0 : i32
      %dma_start3A_91 = tpu.memref_slice %arg4[%add3A_20, %dma_start3A_90] : memref<16384x256xf32, #tpu.memory_space<hbm>> -> memref<256x256xf32, #tpu.memory_space<hbm>>
      %dma_start3A_92 = arith.constant 0 : i32
      %dma_start3A_93 = tpu.memref_slice %arg4[%add3A_20, %dma_start3A_92] : memref<16384x256xf32, #tpu.memory_space<hbm>> -> memref<256x256xf32, #tpu.memory_space<hbm>>
      tpu.enqueue_dma source(%arg7 : memref<256x256xf32, #tpu.memory_space<vmem>>) target(%dma_start3A_93 : memref<256x256xf32, #tpu.memory_space<hbm>>) target_semaphore(%run_scoped3A : memref<!tpu.dma_semaphore, #tpu.memory_space<semaphore_mem>>)
      %dma_wait3A_94 = arith.constant 0 : i32
      %dma_wait3A_95 = tpu.memref_slice %arg4[%add3A_20, %dma_wait3A_94] : memref<16384x256xf32, #tpu.memory_space<hbm>> -> memref<256x256xf32, #tpu.memory_space<hbm>>
      %dma_wait3A_96 = arith.constant 0 : i32
      %dma_wait3A_97 = tpu.memref_slice %arg4[%add3A_20, %dma_wait3A_96] : memref<16384x256xf32, #tpu.memory_space<hbm>> -> memref<256x256xf32, #tpu.memory_space<hbm>>
      tpu.wait_dma2 semaphore(%run_scoped3A : memref<!tpu.dma_semaphore, #tpu.memory_space<semaphore_mem>>) src(%arg7 : memref<256x256xf32, #tpu.memory_space<vmem>>) dst(%dma_wait3A_97 : memref<256x256xf32, #tpu.memory_space<hbm>>)
      tpu.yield
    }) : () -> ()
    "tpu.region"() ({
      %run_scoped3A = tpu.sem_alloc : memref<!tpu.dma_semaphore, #tpu.memory_space<semaphore_mem>>
      tpu.enqueue_dma source(%arg3 : memref<16384xi32, #tpu.memory_space<hbm>>) target(%arg8 : memref<16384xi32, #tpu.memory_space<vmem>>) target_semaphore(%run_scoped3A : memref<!tpu.dma_semaphore, #tpu.memory_space<semaphore_mem>>)
      tpu.wait_dma2 semaphore(%run_scoped3A : memref<!tpu.dma_semaphore, #tpu.memory_space<semaphore_mem>>) src(%arg3 : memref<16384xi32, #tpu.memory_space<hbm>>) dst(%arg8 : memref<16384xi32, #tpu.memory_space<vmem>>)
      tpu.yield
    }) : () -> ()
    %broadcast_in_dim3A = arith.constant 0.000000e+00 : f32
    %broadcast_in_dim3A_21 = vector.broadcast %broadcast_in_dim3A : f32 to vector<16xf32>
    %swap3A = arith.constant 0 : index
    %swap3A_22 = tpu.vector_load %arg9[%swap3A] {strides = array<i32>} : memref<256xf32, #tpu.memory_space<vmem>>, vector<16xf32>,
    tpu.vector_store %arg9[%swap3A], %broadcast_in_dim3A_21 {strides = array<i32>} : memref<256xf32, #tpu.memory_space<vmem>>, vector<16xf32>,
    %broadcast_in_dim3A_23 = arith.constant 0.000000e+00 : f32
    %broadcast_in_dim3A_24 = vector.broadcast %broadcast_in_dim3A_23 : f32 to vector<16xf32>
    %swap3A_25 = arith.constant 16 : index
    %swap3A_26 = tpu.vector_load %arg9[%swap3A_25] {strides = array<i32>} : memref<256xf32, #tpu.memory_space<vmem>>, vector<16xf32>,
    tpu.vector_store %arg9[%swap3A_25], %broadcast_in_dim3A_24 {strides = array<i32>} : memref<256xf32, #tpu.memory_space<vmem>>, vector<16xf32>,
    %broadcast_in_dim3A_27 = arith.constant 0.000000e+00 : f32
    %broadcast_in_dim3A_28 = vector.broadcast %broadcast_in_dim3A_27 : f32 to vector<16xf32>
    %swap3A_29 = arith.constant 32 : index
    %swap3A_30 = tpu.vector_load %arg9[%swap3A_29] {strides = array<i32>} : memref<256xf32, #tpu.memory_space<vmem>>, vector<16xf32>,
    tpu.vector_store %arg9[%swap3A_29], %broadcast_in_dim3A_28 {strides = array<i32>} : memref<256xf32, #tpu.memory_space<vmem>>, vector<16xf32>,
    %broadcast_in_dim3A_31 = arith.constant 0.000000e+00 : f32
    %broadcast_in_dim3A_32 = vector.broadcast %broadcast_in_dim3A_31 : f32 to vector<16xf32>
    %swap3A_33 = arith.constant 48 : index
    %swap3A_34 = tpu.vector_load %arg9[%swap3A_33] {strides = array<i32>} : memref<256xf32, #tpu.memory_space<vmem>>, vector<16xf32>,
    tpu.vector_store %arg9[%swap3A_33], %broadcast_in_dim3A_32 {strides = array<i32>} : memref<256xf32, #tpu.memory_space<vmem>>, vector<16xf32>,
    %broadcast_in_dim3A_35 = arith.constant 0.000000e+00 : f32
    %broadcast_in_dim3A_36 = vector.broadcast %broadcast_in_dim3A_35 : f32 to vector<16xf32>
    %swap3A_37 = arith.constant 64 : index
    %swap3A_38 = tpu.vector_load %arg9[%swap3A_37] {strides = array<i32>} : memref<256xf32, #tpu.memory_space<vmem>>, vector<16xf32>,
    tpu.vector_store %arg9[%swap3A_37], %broadcast_in_dim3A_36 {strides = array<i32>} : memref<256xf32, #tpu.memory_space<vmem>>, vector<16xf32>,
    %broadcast_in_dim3A_39 = arith.constant 0.000000e+00 : f32
    %broadcast_in_dim3A_40 = vector.broadcast %broadcast_in_dim3A_39 : f32 to vector<16xf32>
    %swap3A_41 = arith.constant 80 : index
    %swap3A_42 = tpu.vector_load %arg9[%swap3A_41] {strides = array<i32>} : memref<256xf32, #tpu.memory_space<vmem>>, vector<16xf32>,
    tpu.vector_store %arg9[%swap3A_41], %broadcast_in_dim3A_40 {strides = array<i32>} : memref<256xf32, #tpu.memory_space<vmem>>, vector<16xf32>,
    %broadcast_in_dim3A_43 = arith.constant 0.000000e+00 : f32
    %broadcast_in_dim3A_44 = vector.broadcast %broadcast_in_dim3A_43 : f32 to vector<16xf32>
    %swap3A_45 = arith.constant 96 : index
    %swap3A_46 = tpu.vector_load %arg9[%swap3A_45] {strides = array<i32>} : memref<256xf32, #tpu.memory_space<vmem>>, vector<16xf32>,
    tpu.vector_store %arg9[%swap3A_45], %broadcast_in_dim3A_44 {strides = array<i32>} : memref<256xf32, #tpu.memory_space<vmem>>, vector<16xf32>,
    %broadcast_in_dim3A_47 = arith.constant 0.000000e+00 : f32
    %broadcast_in_dim3A_48 = vector.broadcast %broadcast_in_dim3A_47 : f32 to vector<16xf32>
    %swap3A_49 = arith.constant 112 : index
    %swap3A_50 = tpu.vector_load %arg9[%swap3A_49] {strides = array<i32>} : memref<256xf32, #tpu.memory_space<vmem>>, vector<16xf32>,
    tpu.vector_store %arg9[%swap3A_49], %broadcast_in_dim3A_48 {strides = array<i32>} : memref<256xf32, #tpu.memory_space<vmem>>, vector<16xf32>,
    %broadcast_in_dim3A_51 = arith.constant 0.000000e+00 : f32
    %broadcast_in_dim3A_52 = vector.broadcast %broadcast_in_dim3A_51 : f32 to vector<16xf32>
    %swap3A_53 = arith.constant 128 : index
    %swap3A_54 = tpu.vector_load %arg9[%swap3A_53] {strides = array<i32>} : memref<256xf32, #tpu.memory_space<vmem>>, vector<16xf32>,
    tpu.vector_store %arg9[%swap3A_53], %broadcast_in_dim3A_52 {strides = array<i32>} : memref<256xf32, #tpu.memory_space<vmem>>, vector<16xf32>,
    %broadcast_in_dim3A_55 = arith.constant 0.000000e+00 : f32
    %broadcast_in_dim3A_56 = vector.broadcast %broadcast_in_dim3A_55 : f32 to vector<16xf32>
    %swap3A_57 = arith.constant 144 : index
    %swap3A_58 = tpu.vector_load %arg9[%swap3A_57] {strides = array<i32>} : memref<256xf32, #tpu.memory_space<vmem>>, vector<16xf32>,
    tpu.vector_store %arg9[%swap3A_57], %broadcast_in_dim3A_56 {strides = array<i32>} : memref<256xf32, #tpu.memory_space<vmem>>, vector<16xf32>,
    %broadcast_in_dim3A_59 = arith.constant 0.000000e+00 : f32
    %broadcast_in_dim3A_60 = vector.broadcast %broadcast_in_dim3A_59 : f32 to vector<16xf32>
    %swap3A_61 = arith.constant 160 : index
    %swap3A_62 = tpu.vector_load %arg9[%swap3A_61] {strides = array<i32>} : memref<256xf32, #tpu.memory_space<vmem>>, vector<16xf32>,
    tpu.vector_store %arg9[%swap3A_61], %broadcast_in_dim3A_60 {strides = array<i32>} : memref<256xf32, #tpu.memory_space<vmem>>, vector<16xf32>,
    %broadcast_in_dim3A_63 = arith.constant 0.000000e+00 : f32
    %broadcast_in_dim3A_64 = vector.broadcast %broadcast_in_dim3A_63 : f32 to vector<16xf32>
    %swap3A_65 = arith.constant 176 : index
    %swap3A_66 = tpu.vector_load %arg9[%swap3A_65] {strides = array<i32>} : memref<256xf32, #tpu.memory_space<vmem>>, vector<16xf32>,
    tpu.vector_store %arg9[%swap3A_65], %broadcast_in_dim3A_64 {strides = array<i32>} : memref<256xf32, #tpu.memory_space<vmem>>, vector<16xf32>,
    %broadcast_in_dim3A_67 = arith.constant 0.000000e+00 : f32
    %broadcast_in_dim3A_68 = vector.broadcast %broadcast_in_dim3A_67 : f32 to vector<16xf32>
    %swap3A_69 = arith.constant 192 : index
    %swap3A_70 = tpu.vector_load %arg9[%swap3A_69] {strides = array<i32>} : memref<256xf32, #tpu.memory_space<vmem>>, vector<16xf32>,
    tpu.vector_store %arg9[%swap3A_69], %broadcast_in_dim3A_68 {strides = array<i32>} : memref<256xf32, #tpu.memory_space<vmem>>, vector<16xf32>,
    %broadcast_in_dim3A_71 = arith.constant 0.000000e+00 : f32
    %broadcast_in_dim3A_72 = vector.broadcast %broadcast_in_dim3A_71 : f32 to vector<16xf32>
    %swap3A_73 = arith.constant 208 : index
    %swap3A_74 = tpu.vector_load %arg9[%swap3A_73] {strides = array<i32>} : memref<256xf32, #tpu.memory_space<vmem>>, vector<16xf32>,
    tpu.vector_store %arg9[%swap3A_73], %broadcast_in_dim3A_72 {strides = array<i32>} : memref<256xf32, #tpu.memory_space<vmem>>, vector<16xf32>,
    %broadcast_in_dim3A_75 = arith.constant 0.000000e+00 : f32
    %broadcast_in_dim3A_76 = vector.broadcast %broadcast_in_dim3A_75 : f32 to vector<16xf32>
    %swap3A_77 = arith.constant 224 : index
    %swap3A_78 = tpu.vector_load %arg9[%swap3A_77] {strides = array<i32>} : memref<256xf32, #tpu.memory_space<vmem>>, vector<16xf32>,
    tpu.vector_store %arg9[%swap3A_77], %broadcast_in_dim3A_76 {strides = array<i32>} : memref<256xf32, #tpu.memory_space<vmem>>, vector<16xf32>,
    %broadcast_in_dim3A_79 = arith.constant 0.000000e+00 : f32
    %broadcast_in_dim3A_80 = vector.broadcast %broadcast_in_dim3A_79 : f32 to vector<16xf32>
    %swap3A_81 = arith.constant 240 : index
    %swap3A_82 = tpu.vector_load %arg9[%swap3A_81] {strides = array<i32>} : memref<256xf32, #tpu.memory_space<vmem>>, vector<16xf32>,
    tpu.vector_store %arg9[%swap3A_81], %broadcast_in_dim3A_80 {strides = array<i32>} : memref<256xf32, #tpu.memory_space<vmem>>, vector<16xf32>,
    %mul3A_83 = arith.constant 256 : i32
    %mul3A_84 = arith.muli %add3A, %mul3A_83 : i32
    %scan3A = arith.constant 0 : i32
    %scan3A_85 = arith.constant 0 : i32
    %scan3A_86 = arith.constant 1024 : i32
    %scan3A_87 = arith.addi %scan3A_85, %scan3A_86 : i32
    %scan3A_88 = arith.constant 4 : i32
    scf.for %scan3A_90 = %scan3A_85 to %scan3A_87 step %scan3A_88  : i32 {
      %mul3A_91 = arith.constant 16 : i32
      %mul3A_92 = arith.muli %scan3A_90, %mul3A_91 : i32
      %get3A = arith.index_cast %mul3A_92 : i32 to index
      %get3A_93 = tpu.vector_load %arg8[%get3A] {strides = array<i32>} : memref<16384xi32, #tpu.memory_space<vmem>>, vector<16xi32>,
      %ge3A = vector.broadcast %mul3A_84 : i32 to vector<16xi32>
      %ge3A_94 = arith.cmpi sge, %get3A_93, %ge3A : vector<16xi32>
      %add3A_95 = arith.constant 256 : i32
      %add3A_96 = arith.addi %mul3A_84, %add3A_95 : i32
      %lt3A = vector.broadcast %add3A_96 : i32 to vector<16xi32>
      %lt3A_97 = arith.cmpi slt, %get3A_93, %lt3A : vector<16xi32>
      %and3A = arith.andi %ge3A_94, %lt3A_97 : vector<16xi1>
      %sub3A = vector.broadcast %mul3A_84 : i32 to vector<16xi32>
      %sub3A_98 = arith.subi %get3A_93, %sub3A : vector<16xi32>
      %jit3A = arith.constant 0 : i32
      %broadcast_in_dim3A_99 = vector.broadcast %jit3A : i32 to vector<16xi32>
      %select_n3A = arith.select %and3A, %sub3A_98, %broadcast_in_dim3A_99 : vector<16xi1>, vector<16xi32>
      %jit3A_100 = arith.constant 1.000000e+00 : f32
      %jit3A_101 = arith.constant 0.000000e+00 : f32
      %broadcast_in_dim3A_102 = vector.broadcast %jit3A_100 : f32 to vector<16xf32>
      %broadcast_in_dim3A_103 = vector.broadcast %jit3A_101 : f32 to vector<16xf32>
      %select_n3A_104 = arith.select %and3A, %broadcast_in_dim3A_102, %broadcast_in_dim3A_103 : vector<16xi1>, vector<16xf32>
      tpu.vector_store_idx %arg9[%select_n3A], %select_n3A_104 {add = true} : memref<256xf32, #tpu.memory_space<vmem>>[vector<16xi32>], vector<16xf32>,
      %scan3A_105 = arith.constant 1 : i32
      %scan3A_106 = arith.addi %scan3A_90, %scan3A_105 : i32
      %mul3A_107 = arith.constant 16 : i32
      %mul3A_108 = arith.muli %scan3A_106, %mul3A_107 : i32
      %get3A_109 = arith.index_cast %mul3A_108 : i32 to index
      %get3A_110 = tpu.vector_load %arg8[%get3A_109] {strides = array<i32>} : memref<16384xi32, #tpu.memory_space<vmem>>, vector<16xi32>,
      %ge3A_111 = vector.broadcast %mul3A_84 : i32 to vector<16xi32>
      %ge3A_112 = arith.cmpi sge, %get3A_110, %ge3A_111 : vector<16xi32>
      %add3A_113 = arith.constant 256 : i32
      %add3A_114 = arith.addi %mul3A_84, %add3A_113 : i32
      %lt3A_115 = vector.broadcast %add3A_114 : i32 to vector<16xi32>
      %lt3A_116 = arith.cmpi slt, %get3A_110, %lt3A_115 : vector<16xi32>
      %and3A_117 = arith.andi %ge3A_112, %lt3A_116 : vector<16xi1>
      %sub3A_118 = vector.broadcast %mul3A_84 : i32 to vector<16xi32>
      %sub3A_119 = arith.subi %get3A_110, %sub3A_118 : vector<16xi32>
      %jit3A_120 = arith.constant 0 : i32
      %broadcast_in_dim3A_121 = vector.broadcast %jit3A_120 : i32 to vector<16xi32>
      %select_n3A_122 = arith.select %and3A_117, %sub3A_119, %broadcast_in_dim3A_121 : vector<16xi1>, vector<16xi32>
      %jit3A_123 = arith.constant 1.000000e+00 : f32
      %jit3A_124 = arith.constant 0.000000e+00 : f32
      %broadcast_in_dim3A_125 = vector.broadcast %jit3A_123 : f32 to vector<16xf32>
      %broadcast_in_dim3A_126 = vector.broadcast %jit3A_124 : f32 to vector<16xf32>
      %select_n3A_127 = arith.select %and3A_117, %broadcast_in_dim3A_125, %broadcast_in_dim3A_126 : vector<16xi1>, vector<16xf32>
      tpu.vector_store_idx %arg9[%select_n3A_122], %select_n3A_127 {add = true} : memref<256xf32, #tpu.memory_space<vmem>>[vector<16xi32>], vector<16xf32>,
      %scan3A_128 = arith.constant 2 : i32
      %scan3A_129 = arith.addi %scan3A_90, %scan3A_128 : i32
      %mul3A_130 = arith.constant 16 : i32
      %mul3A_131 = arith.muli %scan3A_129, %mul3A_130 : i32
      %get3A_132 = arith.index_cast %mul3A_131 : i32 to index
      %get3A_133 = tpu.vector_load %arg8[%get3A_132] {strides = array<i32>} : memref<16384xi32, #tpu.memory_space<vmem>>, vector<16xi32>,
      %ge3A_134 = vector.broadcast %mul3A_84 : i32 to vector<16xi32>
      %ge3A_135 = arith.cmpi sge, %get3A_133, %ge3A_134 : vector<16xi32>
      %add3A_136 = arith.constant 256 : i32
      %add3A_137 = arith.addi %mul3A_84, %add3A_136 : i32
      %lt3A_138 = vector.broadcast %add3A_137 : i32 to vector<16xi32>
      %lt3A_139 = arith.cmpi slt, %get3A_133, %lt3A_138 : vector<16xi32>
      %and3A_140 = arith.andi %ge3A_135, %lt3A_139 : vector<16xi1>
      %sub3A_141 = vector.broadcast %mul3A_84 : i32 to vector<16xi32>
      %sub3A_142 = arith.subi %get3A_133, %sub3A_141 : vector<16xi32>
      %jit3A_143 = arith.constant 0 : i32
      %broadcast_in_dim3A_144 = vector.broadcast %jit3A_143 : i32 to vector<16xi32>
      %select_n3A_145 = arith.select %and3A_140, %sub3A_142, %broadcast_in_dim3A_144 : vector<16xi1>, vector<16xi32>
      %jit3A_146 = arith.constant 1.000000e+00 : f32
      %jit3A_147 = arith.constant 0.000000e+00 : f32
      %broadcast_in_dim3A_148 = vector.broadcast %jit3A_146 : f32 to vector<16xf32>
      %broadcast_in_dim3A_149 = vector.broadcast %jit3A_147 : f32 to vector<16xf32>
      %select_n3A_150 = arith.select %and3A_140, %broadcast_in_dim3A_148, %broadcast_in_dim3A_149 : vector<16xi1>, vector<16xf32>
      tpu.vector_store_idx %arg9[%select_n3A_145], %select_n3A_150 {add = true} : memref<256xf32, #tpu.memory_space<vmem>>[vector<16xi32>], vector<16xf32>,
      %scan3A_151 = arith.constant 3 : i32
      %scan3A_152 = arith.addi %scan3A_90, %scan3A_151 : i32
      %mul3A_153 = arith.constant 16 : i32
      %mul3A_154 = arith.muli %scan3A_152, %mul3A_153 : i32
      %get3A_155 = arith.index_cast %mul3A_154 : i32 to index
      %get3A_156 = tpu.vector_load %arg8[%get3A_155] {strides = array<i32>} : memref<16384xi32, #tpu.memory_space<vmem>>, vector<16xi32>,
      %ge3A_157 = vector.broadcast %mul3A_84 : i32 to vector<16xi32>
      %ge3A_158 = arith.cmpi sge, %get3A_156, %ge3A_157 : vector<16xi32>
      %add3A_159 = arith.constant 256 : i32
      %add3A_160 = arith.addi %mul3A_84, %add3A_159 : i32
      %lt3A_161 = vector.broadcast %add3A_160 : i32 to vector<16xi32>
      %lt3A_162 = arith.cmpi slt, %get3A_156, %lt3A_161 : vector<16xi32>
      %and3A_163 = arith.andi %ge3A_158, %lt3A_162 : vector<16xi1>
      %sub3A_164 = vector.broadcast %mul3A_84 : i32 to vector<16xi32>
      %sub3A_165 = arith.subi %get3A_156, %sub3A_164 : vector<16xi32>
      %jit3A_166 = arith.constant 0 : i32
      %broadcast_in_dim3A_167 = vector.broadcast %jit3A_166 : i32 to vector<16xi32>
      %select_n3A_168 = arith.select %and3A_163, %sub3A_165, %broadcast_in_dim3A_167 : vector<16xi1>, vector<16xi32>
      %jit3A_169 = arith.constant 1.000000e+00 : f32
      %jit3A_170 = arith.constant 0.000000e+00 : f32
      %broadcast_in_dim3A_171 = vector.broadcast %jit3A_169 : f32 to vector<16xf32>
      %broadcast_in_dim3A_172 = vector.broadcast %jit3A_170 : f32 to vector<16xf32>
      %select_n3A_173 = arith.select %and3A_163, %broadcast_in_dim3A_171, %broadcast_in_dim3A_172 : vector<16xi1>, vector<16xf32>
      tpu.vector_store_idx %arg9[%select_n3A_168], %select_n3A_173 {add = true} : memref<256xf32, #tpu.memory_space<vmem>>[vector<16xi32>], vector<16xf32>,
    }
    %scan3A_89 = arith.constant 1024 : i32
    "tpu.region"() ({
      %run_scoped3A = tpu.sem_alloc : memref<!tpu.dma_semaphore, #tpu.memory_space<semaphore_mem>>
      %dma_start3A_90 = tpu.memref_slice %arg5[%mul3A_84] : memref<8192xf32, #tpu.memory_space<hbm>> -> memref<256xf32, #tpu.memory_space<hbm>>
      %dma_start3A_91 = tpu.memref_slice %arg5[%mul3A_84] : memref<8192xf32, #tpu.memory_space<hbm>> -> memref<256xf32, #tpu.memory_space<hbm>>
      tpu.enqueue_dma source(%arg9 : memref<256xf32, #tpu.memory_space<vmem>>) target(%dma_start3A_91 : memref<256xf32, #tpu.memory_space<hbm>>) target_semaphore(%run_scoped3A : memref<!tpu.dma_semaphore, #tpu.memory_space<semaphore_mem>>)
      %dma_wait3A_92 = tpu.memref_slice %arg5[%mul3A_84] : memref<8192xf32, #tpu.memory_space<hbm>> -> memref<256xf32, #tpu.memory_space<hbm>>
      %dma_wait3A_93 = tpu.memref_slice %arg5[%mul3A_84] : memref<8192xf32, #tpu.memory_space<hbm>> -> memref<256xf32, #tpu.memory_space<hbm>>
      tpu.wait_dma2 semaphore(%run_scoped3A : memref<!tpu.dma_semaphore, #tpu.memory_space<semaphore_mem>>) src(%arg9 : memref<256xf32, #tpu.memory_space<vmem>>) dst(%dma_wait3A_93 : memref<256xf32, #tpu.memory_space<hbm>>)
      tpu.yield
    }) : () -> ()
    return
  }
}

module attributes {stable_mosaic.version = 14 : i64} {
  func.func @_k1_body(%arg0: i32, %arg1: i32, %arg2: memref<1x256x512xbf16, #tpu.memory_space<vmem>>, %arg3: memref<1024x256xbf16, #tpu.memory_space<vmem>>, %arg4: memref<1024x1xf32, #tpu.memory_space<vmem>>, %arg5: memref<1x512xf32, #tpu.memory_space<vmem>>, %arg6: memref<1x1x512xi32, #tpu.memory_space<vmem>>, %arg7: memref<1x1xf32, #tpu.memory_space<vmem>>, %arg8: memref<1x512xf32, #tpu.memory_space<vmem>>, %arg9: memref<1x512xi32, #tpu.memory_space<vmem>>, %arg10: memref<1x512xf32, #tpu.memory_space<vmem>>, %arg11: memref<1x512xi32, #tpu.memory_space<vmem>>, %arg12: memref<1x512xf32, #tpu.memory_space<vmem>>, %arg13: memref<1x512xi32, #tpu.memory_space<vmem>>, %arg14: memref<1x1xf32, #tpu.memory_space<smem>>) attributes {dimension_semantics = [#tpu.dimension_semantics<arbitrary>, #tpu.dimension_semantics<arbitrary>], iteration_bounds = array<i64: 32, 8>, scalar_prefetch = 0 : i64, scratch_operands = 7 : i64, tpu.core_type = #tpu.core_type<tc>, window_params = [{transform_indices = @transform_0, window_bounds = array<i64: 1, 256, 512>}, {transform_indices = @transform_1, window_bounds = array<i64: 1024, 256>}, {transform_indices = @transform_2, window_bounds = array<i64: 1024, 1>}, {transform_indices = @transform_3, window_bounds = array<i64: 1, 512>}, {transform_indices = @transform_4, window_bounds = array<i64: 1, 1, 512>}, {pipeline_mode = #tpu.pipeline_mode<synchronous>, transform_indices = @transform_5, window_bounds = array<i64: 1, 1>}]} {
    %get3A = arith.constant 0 : index
    %get3A_0 = arith.constant 0 : index
    %get3A_1 = arith.constant 0 : index
    %get3A_2 = vector.load %arg2[%get3A, %get3A_0, %get3A_1] : memref<1x256x512xbf16, #tpu.memory_space<vmem>>, vector<1x256x512xbf16>
    %get3A_3 = vector.shape_cast %get3A_2 : vector<1x256x512xbf16> to vector<256x512xbf16>
    %get3A_4 = arith.constant 0 : index
    %get3A_5 = arith.constant 0 : index
    %get3A_6 = vector.load %arg3[%get3A_4, %get3A_5] : memref<1024x256xbf16, #tpu.memory_space<vmem>>, vector<1024x256xbf16>
    %dot_general3A = arith.constant dense<0.000000e+00> : vector<1024x512xf32>
    %dot_general3A_7 = tpu.matmul %get3A_6, %get3A_3, %dot_general3A {dimension_numbers = #tpu.dot_dimension_numbers<[1], [0], [0], [1], [0, 0, 1, 1], [], []>, transpose_lhs_hint = false} : vector<1024x256xbf16>, vector<256x512xbf16>, vector<1024x512xf32> -> vector<1024x512xf32>
    %get3A_8 = arith.constant 0 : index
    %get3A_9 = arith.constant 0 : index
    %get3A_10 = vector.load %arg5[%get3A_8, %get3A_9] : memref<1x512xf32, #tpu.memory_space<vmem>>, vector<1x512xf32>
    %get3A_11 = arith.constant 0 : index
    %get3A_12 = arith.constant 0 : index
    %get3A_13 = vector.load %arg4[%get3A_11, %get3A_12] : memref<1024x1xf32, #tpu.memory_space<vmem>>, vector<1024x1xf32>
    %add3A = vector.broadcast %get3A_10 : vector<1x512xf32> to vector<1024x512xf32>
    %add3A_14 = vector.broadcast %get3A_13 : vector<1024x1xf32> to vector<1024x512xf32>
    %add3A_15 = arith.addf %add3A, %add3A_14 : vector<1024x512xf32>
    %mul3A = arith.constant 2.000000e+00 : f32
    %mul3A_16 = vector.broadcast %mul3A : f32 to vector<1024x512xf32>
    %mul3A_17 = arith.mulf %mul3A_16, %dot_general3A_7 : vector<1024x512xf32>
    %sub3A = arith.subf %add3A_15, %mul3A_17 : vector<1024x512xf32>
    %iota3A = tpu.iota {dimensions = array<i32: 0>} : vector<1024x512xi32>
    %mul3A_18 = arith.constant 1024 : i32
    %mul3A_19 = arith.muli %arg1, %mul3A_18 : i32
    %add3A_20 = vector.broadcast %mul3A_19 : i32 to vector<1024x512xi32>
    %add3A_21 = arith.addi %iota3A, %add3A_20 : vector<1024x512xi32>
    %eq3A = arith.constant 0 : i32
    %eq3A_22 = arith.cmpi eq, %arg1, %eq3A : i32
    %convert_element_type3A = arith.extui %eq3A_22 : i1 to i32
    %cond3A = arith.constant 0 : i32
    %cond3A_23 = arith.cmpi ne, %convert_element_type3A, %cond3A : i32
    scf.if %cond3A_23 {
      %broadcast_in_dim3A = arith.constant 0x7F800000 : f32
      %broadcast_in_dim3A_68 = vector.broadcast %broadcast_in_dim3A : f32 to vector<1x512xf32>
      %swap3A = arith.constant 0 : index
      %swap3A_69 = arith.constant 0 : index
      %swap3A_70 = vector.load %arg8[%swap3A, %swap3A_69] : memref<1x512xf32, #tpu.memory_space<vmem>>, vector<1x512xf32>
      tpu.vector_store %arg8[%swap3A, %swap3A_69], %broadcast_in_dim3A_68 {strides = array<i32>} : memref<1x512xf32, #tpu.memory_space<vmem>>, vector<1x512xf32>,
      %broadcast_in_dim3A_71 = arith.constant 0 : i32
      %broadcast_in_dim3A_72 = vector.broadcast %broadcast_in_dim3A_71 : i32 to vector<1x512xi32>
      %swap3A_73 = arith.constant 0 : index
      %swap3A_74 = arith.constant 0 : index
      %swap3A_75 = vector.load %arg9[%swap3A_73, %swap3A_74] : memref<1x512xi32, #tpu.memory_space<vmem>>, vector<1x512xi32>
      tpu.vector_store %arg9[%swap3A_73, %swap3A_74], %broadcast_in_dim3A_72 {strides = array<i32>} : memref<1x512xi32, #tpu.memory_space<vmem>>, vector<1x512xi32>,
    } else {
    }
    %ge3A = arith.constant 0 : i32
    %ge3A_24 = arith.cmpi sge, %arg1, %ge3A : i32
    %lt3A = arith.constant 3 : i32
    %lt3A_25 = arith.cmpi slt, %arg1, %lt3A : i32
    %and3A = arith.andi %ge3A_24, %lt3A_25 : i1
    %convert_element_type3A_26 = arith.extui %and3A : i1 to i32
    %cond3A_27 = arith.constant 0 : i32
    %cond3A_28 = arith.cmpi ne, %convert_element_type3A_26, %cond3A_27 : i32
    scf.if %cond3A_28 {
      %ge3A_68 = arith.constant 0 : i32
      %ge3A_69 = vector.broadcast %ge3A_68 : i32 to vector<1024x512xi32>
      %ge3A_70 = arith.cmpi sge, %add3A_21, %ge3A_69 : vector<1024x512xi32>
      %lt3A_71 = arith.constant 2736 : i32
      %lt3A_72 = vector.broadcast %lt3A_71 : i32 to vector<1024x512xi32>
      %lt3A_73 = arith.cmpi slt, %add3A_21, %lt3A_72 : vector<1024x512xi32>
      %and3A_74 = arith.andi %ge3A_70, %lt3A_73 : vector<1024x512xi1>
      %jit3A = arith.constant 0x7F800000 : f32
      %broadcast_in_dim3A = vector.broadcast %jit3A : f32 to vector<1024x512xf32>
      %select_n3A = arith.select %and3A_74, %sub3A, %broadcast_in_dim3A : vector<1024x512xi1>, vector<1024x512xf32>
      %reduce_min3A = arith.constant dense<0x7F800000> : vector<512xf32>
      %reduce_min3A_75 = vector.multi_reduction <minimumf>, %select_n3A, %reduce_min3A [0] : vector<1024x512xf32> to vector<512xf32>
      %broadcast_in_dim3A_76 = vector.shape_cast %reduce_min3A_75 : vector<512xf32> to vector<1x512xf32>
      %eq3A_77 = vector.broadcast %broadcast_in_dim3A_76 : vector<1x512xf32> to vector<1024x512xf32>
      %eq3A_78 = arith.cmpf oeq, %select_n3A, %eq3A_77 : vector<1024x512xf32>
      %jit3A_79 = arith.constant 8192 : i32
      %broadcast_in_dim3A_80 = vector.broadcast %jit3A_79 : i32 to vector<1024x512xi32>
      %select_n3A_81 = arith.select %eq3A_78, %add3A_21, %broadcast_in_dim3A_80 : vector<1024x512xi1>, vector<1024x512xi32>
      %reduce_min3A_82 = arith.constant dense<2147483647> : vector<512xi32>
      %reduce_min3A_83 = vector.multi_reduction <minsi>, %select_n3A_81, %reduce_min3A_82 [0] : vector<1024x512xi32> to vector<512xi32>
      %reshape3A = vector.shape_cast %reduce_min3A_75 : vector<512xf32> to vector<1x512xf32>
      %reshape3A_84 = vector.shape_cast %reduce_min3A_83 : vector<512xi32> to vector<1x512xi32>
      %get3A_85 = arith.constant 0 : index
      %get3A_86 = arith.constant 0 : index
      %get3A_87 = vector.load %arg8[%get3A_85, %get3A_86] : memref<1x512xf32, #tpu.memory_space<vmem>>, vector<1x512xf32>
      %lt3A_88 = arith.cmpf olt, %reshape3A, %get3A_87 : vector<1x512xf32>
      %get3A_89 = arith.constant 0 : index
      %get3A_90 = arith.constant 0 : index
      %get3A_91 = vector.load %arg9[%get3A_89, %get3A_90] : memref<1x512xi32, #tpu.memory_space<vmem>>, vector<1x512xi32>
      %select_n3A_92 = arith.select %lt3A_88, %reshape3A_84, %get3A_91 : vector<1x512xi1>, vector<1x512xi32>
      %swap3A = arith.constant 0 : index
      %swap3A_93 = arith.constant 0 : index
      %swap3A_94 = vector.load %arg9[%swap3A, %swap3A_93] : memref<1x512xi32, #tpu.memory_space<vmem>>, vector<1x512xi32>
      tpu.vector_store %arg9[%swap3A, %swap3A_93], %select_n3A_92 {strides = array<i32>} : memref<1x512xi32, #tpu.memory_space<vmem>>, vector<1x512xi32>,
      %get3A_95 = arith.constant 0 : index
      %get3A_96 = arith.constant 0 : index
      %get3A_97 = vector.load %arg8[%get3A_95, %get3A_96] : memref<1x512xf32, #tpu.memory_space<vmem>>, vector<1x512xf32>
      %select_n3A_98 = arith.select %lt3A_88, %reshape3A, %get3A_97 : vector<1x512xi1>, vector<1x512xf32>
      %swap3A_99 = arith.constant 0 : index
      %swap3A_100 = arith.constant 0 : index
      %swap3A_101 = vector.load %arg8[%swap3A_99, %swap3A_100] : memref<1x512xf32, #tpu.memory_space<vmem>>, vector<1x512xf32>
      tpu.vector_store %arg8[%swap3A_99, %swap3A_100], %select_n3A_98 {strides = array<i32>} : memref<1x512xf32, #tpu.memory_space<vmem>>, vector<1x512xf32>,
    } else {
    }
    %eq3A_29 = arith.constant 0 : i32
    %eq3A_30 = arith.cmpi eq, %arg1, %eq3A_29 : i32
    %convert_element_type3A_31 = arith.extui %eq3A_30 : i1 to i32
    %cond3A_32 = arith.constant 0 : i32
    %cond3A_33 = arith.cmpi ne, %convert_element_type3A_31, %cond3A_32 : i32
    scf.if %cond3A_33 {
      %broadcast_in_dim3A = arith.constant 0x7F800000 : f32
      %broadcast_in_dim3A_68 = vector.broadcast %broadcast_in_dim3A : f32 to vector<1x512xf32>
      %swap3A = arith.constant 0 : index
      %swap3A_69 = arith.constant 0 : index
      %swap3A_70 = vector.load %arg10[%swap3A, %swap3A_69] : memref<1x512xf32, #tpu.memory_space<vmem>>, vector<1x512xf32>
      tpu.vector_store %arg10[%swap3A, %swap3A_69], %broadcast_in_dim3A_68 {strides = array<i32>} : memref<1x512xf32, #tpu.memory_space<vmem>>, vector<1x512xf32>,
      %broadcast_in_dim3A_71 = arith.constant 0 : i32
      %broadcast_in_dim3A_72 = vector.broadcast %broadcast_in_dim3A_71 : i32 to vector<1x512xi32>
      %swap3A_73 = arith.constant 0 : index
      %swap3A_74 = arith.constant 0 : index
      %swap3A_75 = vector.load %arg11[%swap3A_73, %swap3A_74] : memref<1x512xi32, #tpu.memory_space<vmem>>, vector<1x512xi32>
      tpu.vector_store %arg11[%swap3A_73, %swap3A_74], %broadcast_in_dim3A_72 {strides = array<i32>} : memref<1x512xi32, #tpu.memory_space<vmem>>, vector<1x512xi32>,
    } else {
    }
    %ge3A_34 = arith.constant 2 : i32
    %ge3A_35 = arith.cmpi sge, %arg1, %ge3A_34 : i32
    %lt3A_36 = arith.constant 6 : i32
    %lt3A_37 = arith.cmpi slt, %arg1, %lt3A_36 : i32
    %and3A_38 = arith.andi %ge3A_35, %lt3A_37 : i1
    %convert_element_type3A_39 = arith.extui %and3A_38 : i1 to i32
    %cond3A_40 = arith.constant 0 : i32
    %cond3A_41 = arith.cmpi ne, %convert_element_type3A_39, %cond3A_40 : i32
    scf.if %cond3A_41 {
      %ge3A_68 = arith.constant 2736 : i32
      %ge3A_69 = vector.broadcast %ge3A_68 : i32 to vector<1024x512xi32>
      %ge3A_70 = arith.cmpi sge, %add3A_21, %ge3A_69 : vector<1024x512xi32>
      %lt3A_71 = arith.constant 5472 : i32
      %lt3A_72 = vector.broadcast %lt3A_71 : i32 to vector<1024x512xi32>
      %lt3A_73 = arith.cmpi slt, %add3A_21, %lt3A_72 : vector<1024x512xi32>
      %and3A_74 = arith.andi %ge3A_70, %lt3A_73 : vector<1024x512xi1>
      %jit3A = arith.constant 0x7F800000 : f32
      %broadcast_in_dim3A = vector.broadcast %jit3A : f32 to vector<1024x512xf32>
      %select_n3A = arith.select %and3A_74, %sub3A, %broadcast_in_dim3A : vector<1024x512xi1>, vector<1024x512xf32>
      %reduce_min3A = arith.constant dense<0x7F800000> : vector<512xf32>
      %reduce_min3A_75 = vector.multi_reduction <minimumf>, %select_n3A, %reduce_min3A [0] : vector<1024x512xf32> to vector<512xf32>
      %broadcast_in_dim3A_76 = vector.shape_cast %reduce_min3A_75 : vector<512xf32> to vector<1x512xf32>
      %eq3A_77 = vector.broadcast %broadcast_in_dim3A_76 : vector<1x512xf32> to vector<1024x512xf32>
      %eq3A_78 = arith.cmpf oeq, %select_n3A, %eq3A_77 : vector<1024x512xf32>
      %jit3A_79 = arith.constant 8192 : i32
      %broadcast_in_dim3A_80 = vector.broadcast %jit3A_79 : i32 to vector<1024x512xi32>
      %select_n3A_81 = arith.select %eq3A_78, %add3A_21, %broadcast_in_dim3A_80 : vector<1024x512xi1>, vector<1024x512xi32>
      %reduce_min3A_82 = arith.constant dense<2147483647> : vector<512xi32>
      %reduce_min3A_83 = vector.multi_reduction <minsi>, %select_n3A_81, %reduce_min3A_82 [0] : vector<1024x512xi32> to vector<512xi32>
      %reshape3A = vector.shape_cast %reduce_min3A_75 : vector<512xf32> to vector<1x512xf32>
      %reshape3A_84 = vector.shape_cast %reduce_min3A_83 : vector<512xi32> to vector<1x512xi32>
      %get3A_85 = arith.constant 0 : index
      %get3A_86 = arith.constant 0 : index
      %get3A_87 = vector.load %arg10[%get3A_85, %get3A_86] : memref<1x512xf32, #tpu.memory_space<vmem>>, vector<1x512xf32>
      %lt3A_88 = arith.cmpf olt, %reshape3A, %get3A_87 : vector<1x512xf32>
      %get3A_89 = arith.constant 0 : index
      %get3A_90 = arith.constant 0 : index
      %get3A_91 = vector.load %arg11[%get3A_89, %get3A_90] : memref<1x512xi32, #tpu.memory_space<vmem>>, vector<1x512xi32>
      %select_n3A_92 = arith.select %lt3A_88, %reshape3A_84, %get3A_91 : vector<1x512xi1>, vector<1x512xi32>
      %swap3A = arith.constant 0 : index
      %swap3A_93 = arith.constant 0 : index
      %swap3A_94 = vector.load %arg11[%swap3A, %swap3A_93] : memref<1x512xi32, #tpu.memory_space<vmem>>, vector<1x512xi32>
      tpu.vector_store %arg11[%swap3A, %swap3A_93], %select_n3A_92 {strides = array<i32>} : memref<1x512xi32, #tpu.memory_space<vmem>>, vector<1x512xi32>,
      %get3A_95 = arith.constant 0 : index
      %get3A_96 = arith.constant 0 : index
      %get3A_97 = vector.load %arg10[%get3A_95, %get3A_96] : memref<1x512xf32, #tpu.memory_space<vmem>>, vector<1x512xf32>
      %select_n3A_98 = arith.select %lt3A_88, %reshape3A, %get3A_97 : vector<1x512xi1>, vector<1x512xf32>
      %swap3A_99 = arith.constant 0 : index
      %swap3A_100 = arith.constant 0 : index
      %swap3A_101 = vector.load %arg10[%swap3A_99, %swap3A_100] : memref<1x512xf32, #tpu.memory_space<vmem>>, vector<1x512xf32>
      tpu.vector_store %arg10[%swap3A_99, %swap3A_100], %select_n3A_98 {strides = array<i32>} : memref<1x512xf32, #tpu.memory_space<vmem>>, vector<1x512xf32>,
    } else {
    }
    %eq3A_42 = arith.constant 0 : i32
    %eq3A_43 = arith.cmpi eq, %arg1, %eq3A_42 : i32
    %convert_element_type3A_44 = arith.extui %eq3A_43 : i1 to i32
    %cond3A_45 = arith.constant 0 : i32
    %cond3A_46 = arith.cmpi ne, %convert_element_type3A_44, %cond3A_45 : i32
    scf.if %cond3A_46 {
      %broadcast_in_dim3A = arith.constant 0x7F800000 : f32
      %broadcast_in_dim3A_68 = vector.broadcast %broadcast_in_dim3A : f32 to vector<1x512xf32>
      %swap3A = arith.constant 0 : index
      %swap3A_69 = arith.constant 0 : index
      %swap3A_70 = vector.load %arg12[%swap3A, %swap3A_69] : memref<1x512xf32, #tpu.memory_space<vmem>>, vector<1x512xf32>
      tpu.vector_store %arg12[%swap3A, %swap3A_69], %broadcast_in_dim3A_68 {strides = array<i32>} : memref<1x512xf32, #tpu.memory_space<vmem>>, vector<1x512xf32>,
      %broadcast_in_dim3A_71 = arith.constant 0 : i32
      %broadcast_in_dim3A_72 = vector.broadcast %broadcast_in_dim3A_71 : i32 to vector<1x512xi32>
      %swap3A_73 = arith.constant 0 : index
      %swap3A_74 = arith.constant 0 : index
      %swap3A_75 = vector.load %arg13[%swap3A_73, %swap3A_74] : memref<1x512xi32, #tpu.memory_space<vmem>>, vector<1x512xi32>
      tpu.vector_store %arg13[%swap3A_73, %swap3A_74], %broadcast_in_dim3A_72 {strides = array<i32>} : memref<1x512xi32, #tpu.memory_space<vmem>>, vector<1x512xi32>,
    } else {
    }
    %ge3A_47 = arith.constant 5 : i32
    %ge3A_48 = arith.cmpi sge, %arg1, %ge3A_47 : i32
    %lt3A_49 = arith.constant 8 : i32
    %lt3A_50 = arith.cmpi slt, %arg1, %lt3A_49 : i32
    %and3A_51 = arith.andi %ge3A_48, %lt3A_50 : i1
    %convert_element_type3A_52 = arith.extui %and3A_51 : i1 to i32
    %cond3A_53 = arith.constant 0 : i32
    %cond3A_54 = arith.cmpi ne, %convert_element_type3A_52, %cond3A_53 : i32
    scf.if %cond3A_54 {
      %ge3A_68 = arith.constant 5472 : i32
      %ge3A_69 = vector.broadcast %ge3A_68 : i32 to vector<1024x512xi32>
      %ge3A_70 = arith.cmpi sge, %add3A_21, %ge3A_69 : vector<1024x512xi32>
      %lt3A_71 = arith.constant 8192 : i32
      %lt3A_72 = vector.broadcast %lt3A_71 : i32 to vector<1024x512xi32>
      %lt3A_73 = arith.cmpi slt, %add3A_21, %lt3A_72 : vector<1024x512xi32>
      %and3A_74 = arith.andi %ge3A_70, %lt3A_73 : vector<1024x512xi1>
      %jit3A = arith.constant 0x7F800000 : f32
      %broadcast_in_dim3A = vector.broadcast %jit3A : f32 to vector<1024x512xf32>
      %select_n3A = arith.select %and3A_74, %sub3A, %broadcast_in_dim3A : vector<1024x512xi1>, vector<1024x512xf32>
      %reduce_min3A = arith.constant dense<0x7F800000> : vector<512xf32>
      %reduce_min3A_75 = vector.multi_reduction <minimumf>, %select_n3A, %reduce_min3A [0] : vector<1024x512xf32> to vector<512xf32>
      %broadcast_in_dim3A_76 = vector.shape_cast %reduce_min3A_75 : vector<512xf32> to vector<1x512xf32>
      %eq3A_77 = vector.broadcast %broadcast_in_dim3A_76 : vector<1x512xf32> to vector<1024x512xf32>
      %eq3A_78 = arith.cmpf oeq, %select_n3A, %eq3A_77 : vector<1024x512xf32>
      %jit3A_79 = arith.constant 8192 : i32
      %broadcast_in_dim3A_80 = vector.broadcast %jit3A_79 : i32 to vector<1024x512xi32>
      %select_n3A_81 = arith.select %eq3A_78, %add3A_21, %broadcast_in_dim3A_80 : vector<1024x512xi1>, vector<1024x512xi32>
      %reduce_min3A_82 = arith.constant dense<2147483647> : vector<512xi32>
      %reduce_min3A_83 = vector.multi_reduction <minsi>, %select_n3A_81, %reduce_min3A_82 [0] : vector<1024x512xi32> to vector<512xi32>
      %reshape3A = vector.shape_cast %reduce_min3A_75 : vector<512xf32> to vector<1x512xf32>
      %reshape3A_84 = vector.shape_cast %reduce_min3A_83 : vector<512xi32> to vector<1x512xi32>
      %get3A_85 = arith.constant 0 : index
      %get3A_86 = arith.constant 0 : index
      %get3A_87 = vector.load %arg12[%get3A_85, %get3A_86] : memref<1x512xf32, #tpu.memory_space<vmem>>, vector<1x512xf32>
      %lt3A_88 = arith.cmpf olt, %reshape3A, %get3A_87 : vector<1x512xf32>
      %get3A_89 = arith.constant 0 : index
      %get3A_90 = arith.constant 0 : index
      %get3A_91 = vector.load %arg13[%get3A_89, %get3A_90] : memref<1x512xi32, #tpu.memory_space<vmem>>, vector<1x512xi32>
      %select_n3A_92 = arith.select %lt3A_88, %reshape3A_84, %get3A_91 : vector<1x512xi1>, vector<1x512xi32>
      %swap3A = arith.constant 0 : index
      %swap3A_93 = arith.constant 0 : index
      %swap3A_94 = vector.load %arg13[%swap3A, %swap3A_93] : memref<1x512xi32, #tpu.memory_space<vmem>>, vector<1x512xi32>
      tpu.vector_store %arg13[%swap3A, %swap3A_93], %select_n3A_92 {strides = array<i32>} : memref<1x512xi32, #tpu.memory_space<vmem>>, vector<1x512xi32>,
      %get3A_95 = arith.constant 0 : index
      %get3A_96 = arith.constant 0 : index
      %get3A_97 = vector.load %arg12[%get3A_95, %get3A_96] : memref<1x512xf32, #tpu.memory_space<vmem>>, vector<1x512xf32>
      %select_n3A_98 = arith.select %lt3A_88, %reshape3A, %get3A_97 : vector<1x512xi1>, vector<1x512xf32>
      %swap3A_99 = arith.constant 0 : index
      %swap3A_100 = arith.constant 0 : index
      %swap3A_101 = vector.load %arg12[%swap3A_99, %swap3A_100] : memref<1x512xf32, #tpu.memory_space<vmem>>, vector<1x512xf32>
      tpu.vector_store %arg12[%swap3A_99, %swap3A_100], %select_n3A_98 {strides = array<i32>} : memref<1x512xf32, #tpu.memory_space<vmem>>, vector<1x512xf32>,
    } else {
    }
    %eq3A_55 = arith.constant 7 : i32
    %eq3A_56 = arith.cmpi eq, %arg1, %eq3A_55 : i32
    %convert_element_type3A_57 = arith.extui %eq3A_56 : i1 to i32
    %cond3A_58 = arith.constant 0 : i32
    %cond3A_59 = arith.cmpi ne, %convert_element_type3A_57, %cond3A_58 : i32
    scf.if %cond3A_59 {
      %get3A_68 = arith.constant 0 : index
      %get3A_69 = arith.constant 0 : index
      %get3A_70 = vector.load %arg8[%get3A_68, %get3A_69] : memref<1x512xf32, #tpu.memory_space<vmem>>, vector<1x512xf32>
      %bitcast_convert_type3A = tpu.bitcast %get3A_70 : vector<1x512xf32> -> vector<1x512xi32>
      %add3A_71 = arith.constant 32767 : i32
      %add3A_72 = vector.broadcast %add3A_71 : i32 to vector<1x512xi32>
      %add3A_73 = arith.addi %bitcast_convert_type3A, %add3A_72 : vector<1x512xi32>
      %shift_right_logical3A = arith.constant 16 : i32
      %shift_right_logical3A_74 = vector.broadcast %shift_right_logical3A : i32 to vector<1x512xi32>
      %shift_right_logical3A_75 = arith.shrui %bitcast_convert_type3A, %shift_right_logical3A_74 : vector<1x512xi32>
      %and3A_76 = arith.constant 1 : i32
      %and3A_77 = vector.broadcast %and3A_76 : i32 to vector<1x512xi32>
      %and3A_78 = arith.andi %shift_right_logical3A_75, %and3A_77 : vector<1x512xi32>
      %add3A_79 = arith.addi %add3A_73, %and3A_78 : vector<1x512xi32>
      %and3A_80 = arith.constant -65536 : i32
      %and3A_81 = vector.broadcast %and3A_80 : i32 to vector<1x512xi32>
      %and3A_82 = arith.andi %add3A_79, %and3A_81 : vector<1x512xi32>
      %bitcast_convert_type3A_83 = tpu.bitcast %and3A_82 : vector<1x512xi32> -> vector<1x512xf32>
      %get3A_84 = arith.constant 0 : index
      %get3A_85 = arith.constant 0 : index
      %get3A_86 = vector.load %arg9[%get3A_84, %get3A_85] : memref<1x512xi32, #tpu.memory_space<vmem>>, vector<1x512xi32>
      %get3A_87 = arith.constant 0 : index
      %get3A_88 = arith.constant 0 : index
      %get3A_89 = vector.load %arg8[%get3A_87, %get3A_88] : memref<1x512xf32, #tpu.memory_space<vmem>>, vector<1x512xf32>
      %get3A_90 = arith.constant 0 : index
      %get3A_91 = arith.constant 0 : index
      %get3A_92 = vector.load %arg10[%get3A_90, %get3A_91] : memref<1x512xf32, #tpu.memory_space<vmem>>, vector<1x512xf32>
      %lt3A_93 = arith.cmpf olt, %get3A_92, %bitcast_convert_type3A_83 : vector<1x512xf32>
      %get3A_94 = arith.constant 0 : index
      %get3A_95 = arith.constant 0 : index
      %get3A_96 = vector.load %arg11[%get3A_94, %get3A_95] : memref<1x512xi32, #tpu.memory_space<vmem>>, vector<1x512xi32>
      %select_n3A = arith.select %lt3A_93, %get3A_96, %get3A_86 : vector<1x512xi1>, vector<1x512xi32>
      %get3A_97 = arith.constant 0 : index
      %get3A_98 = arith.constant 0 : index
      %get3A_99 = vector.load %arg10[%get3A_97, %get3A_98] : memref<1x512xf32, #tpu.memory_space<vmem>>, vector<1x512xf32>
      %select_n3A_100 = arith.select %lt3A_93, %get3A_99, %get3A_89 : vector<1x512xi1>, vector<1x512xf32>
      %get3A_101 = arith.constant 0 : index
      %get3A_102 = arith.constant 0 : index
      %get3A_103 = vector.load %arg10[%get3A_101, %get3A_102] : memref<1x512xf32, #tpu.memory_space<vmem>>, vector<1x512xf32>
      %bitcast_convert_type3A_104 = tpu.bitcast %get3A_103 : vector<1x512xf32> -> vector<1x512xi32>
      %add3A_105 = arith.constant 32767 : i32
      %add3A_106 = vector.broadcast %add3A_105 : i32 to vector<1x512xi32>
      %add3A_107 = arith.addi %bitcast_convert_type3A_104, %add3A_106 : vector<1x512xi32>
      %shift_right_logical3A_108 = arith.constant 16 : i32
      %shift_right_logical3A_109 = vector.broadcast %shift_right_logical3A_108 : i32 to vector<1x512xi32>
      %shift_right_logical3A_110 = arith.shrui %bitcast_convert_type3A_104, %shift_right_logical3A_109 : vector<1x512xi32>
      %and3A_111 = arith.constant 1 : i32
      %and3A_112 = vector.broadcast %and3A_111 : i32 to vector<1x512xi32>
      %and3A_113 = arith.andi %shift_right_logical3A_110, %and3A_112 : vector<1x512xi32>
      %add3A_114 = arith.addi %add3A_107, %and3A_113 : vector<1x512xi32>
      %and3A_115 = arith.constant -65536 : i32
      %and3A_116 = vector.broadcast %and3A_115 : i32 to vector<1x512xi32>
      %and3A_117 = arith.andi %add3A_114, %and3A_116 : vector<1x512xi32>
      %bitcast_convert_type3A_118 = tpu.bitcast %and3A_117 : vector<1x512xi32> -> vector<1x512xf32>
      %select_n3A_119 = arith.select %lt3A_93, %bitcast_convert_type3A_118, %bitcast_convert_type3A_83 : vector<1x512xi1>, vector<1x512xf32>
      %get3A_120 = arith.constant 0 : index
      %get3A_121 = arith.constant 0 : index
      %get3A_122 = vector.load %arg12[%get3A_120, %get3A_121] : memref<1x512xf32, #tpu.memory_space<vmem>>, vector<1x512xf32>
      %lt3A_123 = arith.cmpf olt, %get3A_122, %select_n3A_119 : vector<1x512xf32>
      %get3A_124 = arith.constant 0 : index
      %get3A_125 = arith.constant 0 : index
      %get3A_126 = vector.load %arg13[%get3A_124, %get3A_125] : memref<1x512xi32, #tpu.memory_space<vmem>>, vector<1x512xi32>
      %select_n3A_127 = arith.select %lt3A_123, %get3A_126, %select_n3A : vector<1x512xi1>, vector<1x512xi32>
      %get3A_128 = arith.constant 0 : index
      %get3A_129 = arith.constant 0 : index
      %get3A_130 = vector.load %arg12[%get3A_128, %get3A_129] : memref<1x512xf32, #tpu.memory_space<vmem>>, vector<1x512xf32>
      %select_n3A_131 = arith.select %lt3A_123, %get3A_130, %select_n3A_100 : vector<1x512xi1>, vector<1x512xf32>
      %swap3A = arith.constant 0 : index
      %swap3A_132 = arith.constant 0 : index
      %swap3A_133 = arith.constant 0 : index
      %swap3A_134 = vector.load %arg6[%swap3A, %swap3A_132, %swap3A_133] : memref<1x1x512xi32, #tpu.memory_space<vmem>>, vector<1x1x512xi32>
      %swap3A_135 = vector.shape_cast %swap3A_134 : vector<1x1x512xi32> to vector<1x512xi32>
      %swap3A_136 = vector.shape_cast %select_n3A_127 : vector<1x512xi32> to vector<1x1x512xi32>
      tpu.vector_store %arg6[%swap3A, %swap3A_132, %swap3A_133], %swap3A_136 {strides = array<i32>} : memref<1x1x512xi32, #tpu.memory_space<vmem>>, vector<1x1x512xi32>,
      %reduce_sum3A = vector.shape_cast %select_n3A_131 : vector<1x512xf32> to vector<1x1x512xf32>
      %reduce_sum3A_137 = arith.constant dense<0.000000e+00> : vector<1xf32>
      %reduce_sum3A_138 = vector.multi_reduction <add>, %reduce_sum3A, %reduce_sum3A_137 [1, 2] : vector<1x1x512xf32> to vector<1xf32>
      %reduce_sum3A_139 = vector.shape_cast %reduce_sum3A_138 : vector<1xf32> to vector<1x1x1xf32>
      %reduce_sum3A_140 = vector.extract %reduce_sum3A_139[0, 0, 0] : f32 from vector<1x1x1xf32>
      %eq3A_141 = arith.constant 0 : i32
      %eq3A_142 = arith.cmpi eq, %arg0, %eq3A_141 : i32
      %get3A_143 = arith.constant 0 : index
      %get3A_144 = arith.constant 0 : index
      %get3A_145 = memref.load %arg14[%get3A_143, %get3A_144] : memref<1x1xf32, #tpu.memory_space<smem>>
      %jit3A = arith.constant 0.000000e+00 : f32
      %select_n3A_146 = arith.select %eq3A_142, %jit3A, %get3A_145 : f32
      %add3A_147 = arith.addf %select_n3A_146, %reduce_sum3A_140 : f32
      %swap3A_148 = arith.constant 0 : index
      %swap3A_149 = arith.constant 0 : index
      %swap3A_150 = memref.load %arg14[%swap3A_148, %swap3A_149] : memref<1x1xf32, #tpu.memory_space<smem>>
      memref.store %add3A_147, %arg14[%swap3A_148, %swap3A_149] : memref<1x1xf32, #tpu.memory_space<smem>>
    } else {
    }
    %eq3A_60 = arith.constant 7 : i32
    %eq3A_61 = arith.cmpi eq, %arg1, %eq3A_60 : i32
    %eq3A_62 = arith.constant 31 : i32
    %eq3A_63 = arith.cmpi eq, %arg0, %eq3A_62 : i32
    %and3A_64 = arith.andi %eq3A_61, %eq3A_63 : i1
    %convert_element_type3A_65 = arith.extui %and3A_64 : i1 to i32
    %cond3A_66 = arith.constant 0 : i32
    %cond3A_67 = arith.cmpi ne, %convert_element_type3A_65, %cond3A_66 : i32
    scf.if %cond3A_67 {
      %get3A_68 = arith.constant 0 : index
      %get3A_69 = arith.constant 0 : index
      %get3A_70 = memref.load %arg14[%get3A_68, %get3A_69] : memref<1x1xf32, #tpu.memory_space<smem>>
      %mul3A_71 = arith.constant 5.96046448E-8 : f32
      %mul3A_72 = arith.mulf %get3A_70, %mul3A_71 : f32
      %broadcast_in_dim3A = arith.constant 1.000000e+00 : f32
      %broadcast_in_dim3A_73 = vector.broadcast %broadcast_in_dim3A : f32 to vector<1x1xf32>
      %mul3A_74 = vector.broadcast %mul3A_72 : f32 to vector<1x1xf32>
      %mul3A_75 = arith.mulf %mul3A_74, %broadcast_in_dim3A_73 : vector<1x1xf32>
      %swap3A = arith.constant 0 : index
      %swap3A_76 = arith.constant 0 : index
      %swap3A_77 = vector.load %arg7[%swap3A, %swap3A_76] : memref<1x1xf32, #tpu.memory_space<vmem>>, vector<1x1xf32>
      tpu.vector_store %arg7[%swap3A, %swap3A_76], %mul3A_75 {strides = array<i32>} : memref<1x1xf32, #tpu.memory_space<vmem>>, vector<1x1xf32>,
    } else {
    }
    return
  }
  func.func @transform_0(%arg0: i32, %arg1: i32) -> (i32, i32, i32) {
    %jit3A = arith.constant 2 : i32
    %div3A = arith.divsi %arg0, %jit3A : i32
    %sign3A = arith.constant 0 : i32
    %sign3A_0 = arith.cmpi sgt, %arg0, %sign3A : i32
    %sign3A_1 = arith.extui %sign3A_0 : i1 to i32
    %sign3A_2 = arith.constant 0 : i32
    %sign3A_3 = arith.cmpi slt, %arg0, %sign3A_2 : i32
    %sign3A_4 = arith.extui %sign3A_3 : i1 to i32
    %sign3A_5 = arith.subi %sign3A_1, %sign3A_4 : i32
    %sign3A_6 = arith.constant 0 : i32
    %sign3A_7 = arith.cmpi sgt, %jit3A, %sign3A_6 : i32
    %sign3A_8 = arith.extui %sign3A_7 : i1 to i32
    %sign3A_9 = arith.constant 0 : i32
    %sign3A_10 = arith.cmpi slt, %jit3A, %sign3A_9 : i32
    %sign3A_11 = arith.extui %sign3A_10 : i1 to i32
    %sign3A_12 = arith.subi %sign3A_8, %sign3A_11 : i32
    %ne3A = arith.cmpi ne, %sign3A_5, %sign3A_12 : i32
    %rem3A = arith.remsi %arg0, %jit3A : i32
    %ne3A_13 = arith.constant 0 : i32
    %ne3A_14 = arith.cmpi ne, %rem3A, %ne3A_13 : i32
    %and3A = arith.andi %ne3A, %ne3A_14 : i1
    %sub3A = arith.constant 1 : i32
    %sub3A_15 = arith.subi %div3A, %sub3A : i32
    %select_n3A = arith.select %and3A, %sub3A_15, %div3A : i32
    %jit3A_16 = arith.constant 2 : i32
    %eq3A = arith.constant 0 : i32
    %eq3A_17 = arith.cmpi eq, %jit3A_16, %eq3A : i32
    %jit3A_18 = arith.constant 1 : i32
    %select_n3A_19 = arith.select %eq3A_17, %jit3A_18, %jit3A_16 : i32
    %rem3A_20 = arith.remsi %arg0, %select_n3A_19 : i32
    %ne3A_21 = arith.constant 0 : i32
    %ne3A_22 = arith.cmpi ne, %rem3A_20, %ne3A_21 : i32
    %lt3A = arith.constant 0 : i32
    %lt3A_23 = arith.cmpi slt, %rem3A_20, %lt3A : i32
    %lt3A_24 = arith.constant 0 : i32
    %lt3A_25 = arith.cmpi slt, %select_n3A_19, %lt3A_24 : i32
    %ne3A_26 = arith.xori %lt3A_23, %lt3A_25 : i1
    %and3A_27 = arith.andi %ne3A_26, %ne3A_22 : i1
    %add3A = arith.addi %rem3A_20, %select_n3A_19 : i32
    %select_n3A_28 = arith.select %and3A_27, %add3A, %rem3A_20 : i32
    %c0_i32 = arith.constant 0 : i32
    %c0_i32_29 = arith.constant 0 : i32
    return %select_n3A, %c0_i32, %select_n3A_28 : i32, i32, i32
  }
  func.func @transform_1(%arg0: i32, %arg1: i32) -> (i32, i32) {
    %c0_i32 = arith.constant 0 : i32
    %c0_i32_0 = arith.constant 0 : i32
    return %arg1, %c0_i32 : i32, i32
  }
  func.func @transform_2(%arg0: i32, %arg1: i32) -> (i32, i32) {
    %c0_i32 = arith.constant 0 : i32
    %c0_i32_0 = arith.constant 0 : i32
    return %arg1, %c0_i32 : i32, i32
  }
  func.func @transform_3(%arg0: i32, %arg1: i32) -> (i32, i32) {
    %c0_i32 = arith.constant 0 : i32
    %c0_i32_0 = arith.constant 0 : i32
    return %c0_i32, %arg0 : i32, i32
  }
  func.func @transform_4(%arg0: i32, %arg1: i32) -> (i32, i32, i32) {
    %jit3A = arith.constant 2 : i32
    %div3A = arith.divsi %arg0, %jit3A : i32
    %sign3A = arith.constant 0 : i32
    %sign3A_0 = arith.cmpi sgt, %arg0, %sign3A : i32
    %sign3A_1 = arith.extui %sign3A_0 : i1 to i32
    %sign3A_2 = arith.constant 0 : i32
    %sign3A_3 = arith.cmpi slt, %arg0, %sign3A_2 : i32
    %sign3A_4 = arith.extui %sign3A_3 : i1 to i32
    %sign3A_5 = arith.subi %sign3A_1, %sign3A_4 : i32
    %sign3A_6 = arith.constant 0 : i32
    %sign3A_7 = arith.cmpi sgt, %jit3A, %sign3A_6 : i32
    %sign3A_8 = arith.extui %sign3A_7 : i1 to i32
    %sign3A_9 = arith.constant 0 : i32
    %sign3A_10 = arith.cmpi slt, %jit3A, %sign3A_9 : i32
    %sign3A_11 = arith.extui %sign3A_10 : i1 to i32
    %sign3A_12 = arith.subi %sign3A_8, %sign3A_11 : i32
    %ne3A = arith.cmpi ne, %sign3A_5, %sign3A_12 : i32
    %rem3A = arith.remsi %arg0, %jit3A : i32
    %ne3A_13 = arith.constant 0 : i32
    %ne3A_14 = arith.cmpi ne, %rem3A, %ne3A_13 : i32
    %and3A = arith.andi %ne3A, %ne3A_14 : i1
    %sub3A = arith.constant 1 : i32
    %sub3A_15 = arith.subi %div3A, %sub3A : i32
    %select_n3A = arith.select %and3A, %sub3A_15, %div3A : i32
    %jit3A_16 = arith.constant 2 : i32
    %eq3A = arith.constant 0 : i32
    %eq3A_17 = arith.cmpi eq, %jit3A_16, %eq3A : i32
    %jit3A_18 = arith.constant 1 : i32
    %select_n3A_19 = arith.select %eq3A_17, %jit3A_18, %jit3A_16 : i32
    %rem3A_20 = arith.remsi %arg0, %select_n3A_19 : i32
    %ne3A_21 = arith.constant 0 : i32
    %ne3A_22 = arith.cmpi ne, %rem3A_20, %ne3A_21 : i32
    %lt3A = arith.constant 0 : i32
    %lt3A_23 = arith.cmpi slt, %rem3A_20, %lt3A : i32
    %lt3A_24 = arith.constant 0 : i32
    %lt3A_25 = arith.cmpi slt, %select_n3A_19, %lt3A_24 : i32
    %ne3A_26 = arith.xori %lt3A_23, %lt3A_25 : i1
    %and3A_27 = arith.andi %ne3A_26, %ne3A_22 : i1
    %add3A = arith.addi %rem3A_20, %select_n3A_19 : i32
    %select_n3A_28 = arith.select %and3A_27, %add3A, %rem3A_20 : i32
    %c0_i32 = arith.constant 0 : i32
    %c0_i32_29 = arith.constant 0 : i32
    return %select_n3A, %c0_i32, %select_n3A_28 : i32, i32, i32
  }
  func.func @transform_5(%arg0: i32, %arg1: i32) -> (i32, i32) {
    %c0_i32 = arith.constant 0 : i32
    %c0_i32_0 = arith.constant 0 : i32
    %c0_i32_1 = arith.constant 0 : i32
    return %c0_i32, %c0_i32_0 : i32, i32
  }
}

module attributes {stable_mosaic.version = 14 : i64} {
  func.func @_k3_body(%arg0: i32, %arg1: memref<1x1024x256xf32, #tpu.memory_space<vmem>>, %arg2: memref<1x8192xf32, #tpu.memory_space<vmem>>, %arg3: memref<1x256x1024xf32, #tpu.memory_space<vmem>>, %arg4: memref<1x1xf32, #tpu.memory_space<vmem>>) attributes {dimension_semantics = [#tpu.dimension_semantics<arbitrary>], iteration_bounds = array<i64: 16>, scalar_prefetch = 0 : i64, scratch_operands = 0 : i64, tpu.core_type = #tpu.core_type<tc>, window_params = [{transform_indices = @transform_0, window_bounds = array<i64: 1, 1024, 256>}, {pipeline_mode = #tpu.pipeline_mode<synchronous>, transform_indices = @transform_1, window_bounds = array<i64: 1, 8192>}, {transform_indices = @transform_2, window_bounds = array<i64: 1, 256, 1024>}, {pipeline_mode = #tpu.pipeline_mode<synchronous>, transform_indices = @transform_3, window_bounds = array<i64: 1, 1>}]} {
    %get3A = arith.constant 0 : index
    %get3A_0 = arith.constant 0 : index
    %get3A_1 = arith.constant 0 : index
    %get3A_2 = vector.load %arg1[%get3A, %get3A_0, %get3A_1] : memref<1x1024x256xf32, #tpu.memory_space<vmem>>, vector<1x1024x256xf32>
    %get3A_3 = vector.shape_cast %get3A_2 : vector<1x1024x256xf32> to vector<1024x256xf32>
    %transpose3A = tpu.transpose %get3A_3, [1, 0] : vector<1024x256xf32> -> vector<256x1024xf32>
    %swap3A = arith.constant 0 : index
    %swap3A_4 = arith.constant 0 : index
    %swap3A_5 = arith.constant 0 : index
    %swap3A_6 = vector.load %arg3[%swap3A, %swap3A_4, %swap3A_5] : memref<1x256x1024xf32, #tpu.memory_space<vmem>>, vector<1x256x1024xf32>
    %swap3A_7 = vector.shape_cast %swap3A_6 : vector<1x256x1024xf32> to vector<256x1024xf32>
    %swap3A_8 = vector.shape_cast %transpose3A : vector<256x1024xf32> to vector<1x256x1024xf32>
    tpu.vector_store %arg3[%swap3A, %swap3A_4, %swap3A_5], %swap3A_8 {strides = array<i32>} : memref<1x256x1024xf32, #tpu.memory_space<vmem>>, vector<1x256x1024xf32>,
    %eq3A = arith.constant 0 : i32
    %eq3A_9 = arith.cmpi eq, %arg0, %eq3A : i32
    %convert_element_type3A = arith.extui %eq3A_9 : i1 to i32
    %cond3A = arith.constant 0 : i32
    %cond3A_10 = arith.cmpi ne, %convert_element_type3A, %cond3A : i32
    scf.if %cond3A_10 {
      %get3A_11 = arith.constant 0 : index
      %get3A_12 = arith.constant 0 : index
      %get3A_13 = vector.load %arg2[%get3A_11, %get3A_12] : memref<1x8192xf32, #tpu.memory_space<vmem>>, vector<1x8192xf32>
      %mul3A = arith.constant 6.10351563E-5 : f32
      %mul3A_14 = vector.broadcast %mul3A : f32 to vector<1x8192xf32>
      %mul3A_15 = arith.mulf %get3A_13, %mul3A_14 : vector<1x8192xf32>
      %add3A = arith.constant 1.000000e-10 : f32
      %add3A_16 = vector.broadcast %add3A : f32 to vector<1x8192xf32>
      %add3A_17 = arith.addf %mul3A_15, %add3A_16 : vector<1x8192xf32>
      %log3A = math.log %add3A_17 : vector<1x8192xf32>
      %mul3A_18 = arith.mulf %mul3A_15, %log3A : vector<1x8192xf32>
      %reduce_sum3A = vector.shape_cast %mul3A_18 : vector<1x8192xf32> to vector<1x1x8192xf32>
      %reduce_sum3A_19 = arith.constant dense<0.000000e+00> : vector<1xf32>
      %reduce_sum3A_20 = vector.multi_reduction <add>, %reduce_sum3A, %reduce_sum3A_19 [1, 2] : vector<1x1x8192xf32> to vector<1xf32>
      %reduce_sum3A_21 = vector.shape_cast %reduce_sum3A_20 : vector<1xf32> to vector<1x1x1xf32>
      %reduce_sum3A_22 = vector.extract %reduce_sum3A_21[0, 0, 0] : f32 from vector<1x1x1xf32>
      %neg3A = arith.constant 0.000000e+00 : f32
      %neg3A_23 = arith.subf %neg3A, %reduce_sum3A_22 : f32
      %exp3A = math.exp %neg3A_23 : f32
      %broadcast_in_dim3A = arith.constant 1.000000e+00 : f32
      %broadcast_in_dim3A_24 = vector.broadcast %broadcast_in_dim3A : f32 to vector<1x1xf32>
      %mul3A_25 = vector.broadcast %exp3A : f32 to vector<1x1xf32>
      %mul3A_26 = arith.mulf %mul3A_25, %broadcast_in_dim3A_24 : vector<1x1xf32>
      %swap3A_27 = arith.constant 0 : index
      %swap3A_28 = arith.constant 0 : index
      %swap3A_29 = vector.load %arg4[%swap3A_27, %swap3A_28] : memref<1x1xf32, #tpu.memory_space<vmem>>, vector<1x1xf32>
      tpu.vector_store %arg4[%swap3A_27, %swap3A_28], %mul3A_26 {strides = array<i32>} : memref<1x1xf32, #tpu.memory_space<vmem>>, vector<1x1xf32>,
    } else {
    }
    return
  }
  func.func @transform_0(%arg0: i32) -> (i32, i32, i32) {
    %c0_i32 = arith.constant 0 : i32
    %c0_i32_0 = arith.constant 0 : i32
    %c0_i32_1 = arith.constant 0 : i32
    return %arg0, %c0_i32, %c0_i32_0 : i32, i32, i32
  }
  func.func @transform_1(%arg0: i32) -> (i32, i32) {
    %c0_i32 = arith.constant 0 : i32
    %c0_i32_0 = arith.constant 0 : i32
    %c0_i32_1 = arith.constant 0 : i32
    return %c0_i32, %c0_i32_0 : i32, i32
  }
  func.func @transform_2(%arg0: i32) -> (i32, i32, i32) {
    %c0_i32 = arith.constant 0 : i32
    %c0_i32_0 = arith.constant 0 : i32
    %c0_i32_1 = arith.constant 0 : i32
    return %arg0, %c0_i32, %c0_i32_0 : i32, i32, i32
  }
  func.func @transform_3(%arg0: i32) -> (i32, i32) {
    %c0_i32 = arith.constant 0 : i32
    %c0_i32_0 = arith.constant 0 : i32
    %c0_i32_1 = arith.constant 0 : i32
    return %c0_i32, %c0_i32_0 : i32, i32
  }
}

</mosaic_0001>

<sc_bundles>
// kernel: kernel.5.cloned.1.call-start
scs
__scs_entry_jumppad:
0x0: {  	(pc) =	sbr.rel $0x88, $3  }
0x1: {  	(tag) =	ssettag $0x0;
	lr =	simm.s32 $0x1  }
0x2: {  	[smem:$0x3F9F] =	sst lr;
	_ =	strace $0xD0000000  }
0x3: {  	_ = 	snop  }
0x4: {  	_ = 	snop  }
0x5: {  	_ = 	snop  }
0x6: {  	_ = 	snop  }
0x7: {  	_ = 	snop  }
__scs_overlays_trampoline_lowered:
0x8: {  	[smem:$0x3FAE] =	sst s0  }
0x9: {  	[smem:$0x3FAF] =	sst s1  }
0xa: {  	[smem:$0x3FB0] =	sst s2  }
0xb: {  	[smem:$0x3FB1] =	sst s3  }
0xc: {  	[smem:$0x3FB2] =	sst s4  }
0xd: {  	[smem:$0x3FB3] =	sst s5  }
0xe: {  	[smem:$0x3FB4] =	sst s6  }
0xf: {  	[smem:$0x3FB5] =	sst s7  }
0x10: {  	[smem:$0x3FB6] =	sst s8  }
0x11: {  	[smem:$0x3FB7] =	sst s9;
	s0 =	simm.s32 @!p0 $0x0  }
0x12: {  	s1 =	sld [smem:$0x3F9D];
	s0 =	simm.s32 @p0 $0x1  }
0x13: {  	[smem:$0x3FB8] =	sst s0;
	s0 =	simm.s32 @!p1 $0x0  }
0x14: {  	s2 =	sld [smem:$0x3F9C];
	s0 =	simm.s32 @p1 $0x1  }
0x15: {  	[smem:$0x3FB9] =	sst s0;
	s0 =	simm.s32 @!p2 $0x0  }
0x16: {  	s3 =	sld [smem:$0x3FDB];
	s0 =	simm.s32 @p2 $0x1  }
0x17: {  	s4 =	simm.s32 $0x1BF5;
	[smem:$0x3FBB] =	sst s0  }
0x18: {  	s0 =	sld [smem:$0x3F9E];
	_ =	swait.ge [sflag:s4], $0x0  }
0x19: {  	s7 =	sld [smem:$0x3F9F]  }
0x1a: {  	s8 =	sadd.s32 $0xFFFFE003, lr  }
0x1b: {  	s9 =	sadd.s32 $0xFFFFFEF7, lr;
	s5 =	simm.s32 $0xFFFFFFFF;
	p2 =	slt.u32 s8, $0xFFFFF086  }
0x1c: {  	p1 =	slt.u32 s9, $0xF7A;
	s5 =	simm.s32 @!p2 $0x0  }
0x1d: {  	s5 =	simm.s32 @p1 $0x1;
	p0 =	seq.s32 s7, s2  }
0x1e: {  	s7 =	smul.u32 @!p0 $0xF7A, s2;
	p2 =	seq.s32 @!p0 s5, $0x0  }
0x1f: {  	s9 =	smul.u32 $0xF7A, s1;
	s8 =	simm.s32 @!p0 $0x1BF5;
	p2 =	por !p2, p0  }
0x20: {  	[sflag:s8] =	ssyncset.s32 @!p0 $0xFFFFF086;
	s6 =	sadd.s32 @!p0 s3, s7;
	s7 =	simm.s32 @!p0 $0x108  }
0x21: {  	s3 =	sadd.s32 s3, s9;
	s6 =	sadd.s32 @!p0 $0x88, s6;
	s7 =	simm.s32 @p2 $0x1082  }
0x22: {  	[simem:s7], [sflag:s8] =	dma.local @!p0 [hbm:s6], $0xF7A  }
0x23: {  	s9 =	sor.u32 $0xD0000000, s2;
	s6 =	simm.s32 $0x108;
	_ =	swait.ge @!p0 [sflag:s8], $0x0  }
0x24: {  	s3 =	sadd.s32 $0x88, s3;
	s6 =	simm.s32 @!p1 $0x1082;
	[sflag:s4] =	ssyncset.s32 $0xFFFFF086  }
0x25: {  	[simem:s6], [sflag:s4] =	dma.local [hbm:s3], $0xF7A  }
0x26: {  	[smem:$0x3F9F] =	sst s1;
	(tag) =	ssettag s2;
	_ =	strace s9  }
0x27: {  	s1 =	sld [smem:$0x3FAF]  }
0x28: {  	s2 =	sld [smem:$0x3FB0]  }
0x29: {  	s4 =	sld [smem:$0x3FB2]  }
0x2a: {  	p0 =	seq.s32 s5, $0x0;
	s5 =	sld [smem:$0x3FB3]  }
0x2b: {  	s6 =	sld [smem:$0x3FB4]  }
0x2c: {  	s7 =	sld [smem:$0x3FB5]  }
0x2d: {  	s3 =	simm.s32 $0x108;
	s8 =	sld [smem:$0x3FB6]  }
0x2e: {  	s3 =	simm.s32 @!p0 $0x1082;
	s9 =	sld [smem:$0x3FB7]  }
0x2f: {  	lr =	sadd.s32 s0, s3;
	s0 =	sld [smem:$0x3FAE]  }
0x30: {  	s3 =	sld [smem:$0x3FB1]  }
0x31: {  	[smem:$0x3FBA] =	sst s10  }
0x32: {  	s10 =	sld [smem:$0x3FB8];
	_ =	sdelay $0x3  }
0x33: {  	p0 =	seq.s32 s10, $0x1;
	s10 =	sld [smem:$0x3FBA];
	_ =	sdelay $0x3  }
0x34: {  	[smem:$0x3FBA] =	sst s10  }
0x35: {  	s10 =	sld [smem:$0x3FB9];
	_ =	sdelay $0x3  }
0x36: {  	p1 =	seq.s32 s10, $0x1;
	s10 =	sld [smem:$0x3FBA];
	_ =	sdelay $0x3  }
0x37: {  	[smem:$0x3FBA] =	sst s10  }
0x38: {  	s10 =	sld [smem:$0x3FBB]  }
0x39: {  	_ = 	snop;
	(pc) =	sbr.ind lr, $3  }
0x3a: {  	_ = 	snop  }
0x3b: {  	_ = 	snop  }
0x3c: {  	p2 =	seq.s32 s10, $0x1;
	s10 =	sld [smem:$0x3FBA]  }
0x3d: {  	_ =	shalt  }
0x3e: {  	_ =	shalt  }
0x3f: {  	_ =	shalt  }
0x40: {  	_ =	shalt  }
0x41: {  	_ =	shalt  }
0x42: {  	_ =	shalt  }
0x43: {  	_ =	shalt  }
0x44: {  	_ =	shalt  }
0x45: {  	_ =	shalt  }
0x46: {  	_ =	shalt  }
0x47: {  	_ =	shalt  }
0x48: {  	_ =	shalt  }
0x49: {  	_ =	shalt  }
0x4a: {  	_ =	shalt  }
0x4b: {  	_ =	shalt  }
0x4c: {  	_ =	shalt  }
0x4d: {  	_ =	shalt  }
0x4e: {  	_ =	shalt  }
0x4f: {  	_ =	shalt  }
0x50: {  	_ =	shalt  }
0x51: {  	_ =	shalt  }
0x52: {  	_ =	shalt  }
0x53: {  	_ =	shalt  }
0x54: {  	_ =	shalt  }
0x55: {  	_ =	shalt  }
0x56: {  	_ =	shalt  }
0x57: {  	_ =	shalt  }
0x58: {  	_ =	shalt  }
0x59: {  	_ =	shalt  }
0x5a: {  	_ =	shalt  }
0x5b: {  	_ =	shalt  }
0x5c: {  	_ =	shalt  }
0x5d: {  	_ =	shalt  }
0x5e: {  	_ =	shalt  }
0x5f: {  	_ =	shalt  }
0x60: {  	_ =	shalt  }
0x61: {  	_ =	shalt  }
0x62: {  	_ =	shalt  }
0x63: {  	_ =	shalt  }
0x64: {  	_ =	shalt  }
0x65: {  	_ =	shalt  }
0x66: {  	_ =	shalt  }
0x67: {  	_ =	shalt  }
0x68: {  	_ =	shalt  }
0x69: {  	_ =	shalt  }
0x6a: {  	_ =	shalt  }
0x6b: {  	_ =	shalt  }
0x6c: {  	_ =	shalt  }
0x6d: {  	_ =	shalt  }
0x6e: {  	_ =	shalt  }
0x6f: {  	_ =	shalt  }
0x70: {  	_ =	shalt  }
0x71: {  	_ =	shalt  }
0x72: {  	_ =	shalt  }
0x73: {  	_ =	shalt  }
0x74: {  	_ =	shalt  }
0x75: {  	_ =	shalt  }
0x76: {  	_ =	shalt  }
0x77: {  	_ =	shalt  }
0x78: {  	_ =	shalt  }
0x79: {  	_ =	shalt  }
0x7a: {  	_ =	shalt  }
0x7b: {  	_ =	shalt  }
0x7c: {  	_ =	shalt  }
0x7d: {  	_ =	shalt  }
0x7e: {  	_ =	shalt  }
0x7f: {  	_ =	shalt  }
0x80: {  	_ =	shalt  }
0x81: {  	_ =	shalt  }
0x82: {  	_ =	shalt  }
0x83: {  	_ =	shalt  }
0x84: {  	_ =	shalt  }
0x85: {  	_ =	shalt  }
0x86: {  	_ =	shalt  }
0x87: {  	_ =	shalt  }
.Lfunc_end0:
.L_simem_size_0:
called_computation_lowered:
.L_overlay_start_0:
0x88: {  	s2 =	sld [smem:$0x3FD9]  }
0x89: {  	s3 =	sld [smem:$0x3FFE];
	_ =	sdelay $0x1  }
0x8a: {  	s1 =	srdreg.scid  }
0x8b: {  	s0 =	sand.u32 $0x1, s1  }
0x8c: {  	s14 =	sshll.u32 s0, $0xA;
	s2 =	sadd.s32 s3, s2  }
0x8d: {  	s2 =	sadd.s32 s2, s14  }
0x8e: {  	[smem:$0x3FC6] =	sst s2  }
0x8f: {  	_ = 	snop  }
0x90: {  	s2 =	sld [smem:$0x3FD0];
	_ =	sdelay $0x2  }
0x91: {  	s15 =	simm.s32 $0xA;
	s4 =	simm.s32 $0x10  }
0x92: {  	[smem:s4], [sflag:s15] =	dma.local [hbm:s2], $0x1  }
0x93: {  	_ =	swait.eq [sflag:s15], $0x1  }
0x94: {  	[sflag:s15] =	ssyncset.done $0x0  }
0x95: {  	[sflag:s15] =	ssyncadd.s32 $0xFFFFFFFF  }
0x96: {  	s16 =	sld [smem:$0x11];
	(tm) =	ssettm $0x1  }
0x97: {  	s17 =	sld [smem:$0x3FFB];
	_ =	sdelay $0x3  }
0x98: {  	_ =	strace s17  }
0x99: {  	s3 =	sld [smem:$0x3FFC];
	_ =	sdelay $0x3  }
0x9a: {  	_ =	strace s3  }
0x9b: {  	s3 =	sld [smem:$0x3FFD];
	_ =	sdelay $0x3  }
0x9c: {  	_ =	strace s3  }
0x9d: {  	_ =	strace $0x8FFFFFFF  }
0x9e: {  	s18 =	sld [smem:$0x3FDB];
	_ =	sdelay $0x1  }
0x9f: {  	s19 =	simm.s32 $_scs_section_size  }
0xa0: {  	s5 =	simm.s32 $_size__tile_overlayer_lowered;
	s6 =	simm.s32 $_tile_overlayer_lowered  }
0xa1: {  	s22 =	simm.s32 $0x1BFF;
	s21 =	sshll.u32 s6, $0x1;
	s3 =	sadd.s32 s19, s18  }
0xa2: {  	s7 =	simm.s32 $0x0;
	s20 =	sshll.u32 s5, $0x1;
	s5 =	sadd.s32 s21, s3  }
0xa3: {  	[timem:s7], [sflag:s22] =	dma.local [hbm:s5], s20  }
0xa4: {  	_ =	swait.ge [sflag:s22], s20  }
0xa5: {  	s4 =	ssub.s32 $0x0, s20;
	[sflag:s22] =	ssyncset.done $0x0  }
0xa6: {  	[sflag:s22] =	ssyncadd.s32 s4;
	_ =	sdelay $0x1  }
0xa7: {  	s23 =	simm.s32 $0x1B8B  }
0xa8: {  	_ =	swait.ge [sflag:s23], $0x1  }
0xa9: {  	[sflag:s23] =	ssyncset.done $0x0  }
0xaa: {  	s25 =	simm.s32 $0x1B8E;
	s24 =	sld [smem:$0x3FFE];
	[sflag:s23] =	ssyncadd.s32 $0xFFFFFFFF  }
0xab: {  	s26 =	simm.s32 $execute0_lowered;
	[smem:$0x3FD2] =	sst s25  }
0xac: {  	s5 =	sshll.u32 s26, $0x1;
	_ =	strace $0x80000046;
	[dreg:$0x1] =	wrdreg $0xFFFFFFFF  }
0xad: {  	s28 =	simm.s32 $_size_execute0_lowered;
	s3 =	sadd.s32 s3, s5;
	[dreg:$0x0] =	wrdreg $0x0  }
0xae: {  	s5 =	sshll.u32 s28, $0x1;
	[dreg:$0x2] =	wrdreg s3  }
0xaf: {  	[dreg:$0x3] =	wrdreg s5  }
0xb0: {  	[dreg:$0x4] =	wrdreg $0xC0  }
0xb1: {  	_ =	task [dreg:s7], $0x5FFFF  }
0xb2: {  	[dreg:$0x1] =	wrdreg $0xFFFFFFFF  }
0xb3: {  	[dreg:$0x0] =	wrdreg $0x60  }
0xb4: {  	[dreg:$0x2] =	wrdreg s24  }
0xb5: {  	[dreg:$0x3] =	wrdreg s16  }
0xb6: {  	[dreg:$0x4] =	wrdreg $0x9  }
0xb7: {  	_ =	task.clear_ibuf [dreg:s7], $0x5FFFF;
	_ =	strace $0x90000046  }
0xb8: {  	s29 =	simm.s32 $0x9;
	_ =	strace $0x80000048  }
0xb9: {  	_ =	swait.ge [sflag:s29], $0x1  }
0xba: {  	[sflag:s29] =	ssyncadd.s32 $0xFFFFFFFF  }
0xbb: {  	_ =	strace $0x90000048  }
0xbc: {  	_ =	sfence  }
0xbd: {  	s30 =	sld [smem:$0x0];
	_ =	sdelay $0x2  }
0xbe: {  	s31 =	sshll.u32 s1, $0xD;
	s1 =	sshrl.u32 s1, $0x2  }
0xbf: {  	s3 =	sand.u32 $0x4000, s31;
	s1 =	sadd.s32 s1, s30  }
0xc0: {  	s0 =	sor.u32 s3, s0;
	s1 =	sshll.u32 s1, $0x11  }
0xc1: {  	s0 =	sor.u32 s1, s0  }
0xc2: {  	s0 =	sadd.s32 $0x8F2B, s0  }
0xc3: {  	[sflag:s0] =	ssyncadd.remote.s32 $0x1  }
0xc4: {  	_ =	sfence.sel $0xFFFF  }
0xc5: {  	[dreg:$0x0] =	wrdreg $0xFFFFFFFF;
	(pc) =	sbr.abs _section_cstart, $3  }
0xc6: {  	[dreg:$0x1] =	wrdreg $0xFFFFFFFF  }
0xc7: {  	_ =	task.clear_ibuf [dreg:s7], $0x2FFFF;
	_ =	strace $0x9FFFFFFF  }
0xc8: {  	(tm) =	ssettm $0x7FFFFFFF  }
0xc9: {  	_ =	shalt  }
tec
execute0_lowered:
.L_overlay_start_1:
0x0: {  	(tag) =	ssettag $0x1  }
0x1: {  	s0 =	rddreg [dreg:$0x0]  }
0x2: {  	s1 =	rddreg [dreg:$0x1]  }
0x3: {  	s2 =	simm.s32 $0x0;
	s3 =	srdreg.scid;
	s4 =	stileid.u32  }
0x4: {  	s11 =	simm.s32 $0x2;
	s28 =	simm.s32 $0x3100;
	s29 =	simm.s32 $0x3900  }
0x5: {  	s30 =	simm.s32 $0x4100;
	s31 =	simm.s32 $0x4900;
	s13 =	simm.s32 $0x7900  }
0x6: {  	s14 =	simm.s32 $0x8900;
	s15 =	simm.s32 $0x9900;
	s16 =	simm.s32 $0xA100  }
0x7: {  	s17 =	simm.s32 $0xB100;
	s12 =	simm.s32 $0xC100;
	s18 =	simm.s32 $0xC900  }
0x8: {  	[smem:$0x7FF] =	sst s2;
	s3 =	sand.u32 $0x1, s3;
	s4 =	sshll.u32 s4, $0x1  }
0x9: {  	s19 =	sadd.s32 $0x41000, s0;
	_ =	strace $0x80000047;
	s5 =	sor.u32 s3, s4  }
0xa: {  	s6 =	ssub.s32 $0x2, s3;
	s3 =	sadd.s32 $0x1000, s0;
	[dreg:$0x9] =	wrdreg s19  }
0xb: {  	s4 =	simm.s32 $0x0;
	s7 =	sshll.u32 s5, $0x5;
	s8 =	sshrl.u32 s6, $0x1  }
0xc: {  	s20 =	sshll.u32 s5, $0x9;
	s21 =	sshll.u32 s5, $0x6;
	s9 =	sshll.u32 s5, $0xE  }
0xd: {  	s24 =	sshll.u32 s5, $0x8;
	s5 =	simm.s32 $0x6900;
	s0 =	sadd.s32 s7, s0  }
0xe: {  	s6 =	ssub.s32 s6, s8;
	s8 =	sadd.s32 s19, s21;
	s22 =	sadd.s32 s1, s9  }
0xf: {  	s7 =	sor.u32 $0x100, s20;
	s10 =	sadd.s32 $0x100, s24;
	[dreg:$0x3] =	wrdreg s8  }
0x10: {  	v0 =	vmov s24;
	s24 =	simm.s32 $0x1900;
	s9 =	simm.s32 $0xA900;
	[dreg:$0x4] =	wrdreg s22  }
0x11: {  	s23 =	sshrl.u32 s7, $0x3;
	s7 =	sshll.u32 s7, $0x5;
	s0 =	sadd.s32 $0x41800, s0  }
0x12: {  	s26 =	smax.u32 s6, $0x1;
	s6 =	simm.s32 $0x7100;
	s8 =	simm.s32 $0x9100  }
0x13: {  	v1 =	vmov s10;
	s10 =	simm.s32 $0xB900;
	s25 =	sadd.s32 s19, s23;
	[dreg:$0x7] =	wrdreg s0  }
0x14: {  	v4 =	vlaneseq.u32;
	s1 =	sadd.s32 s1, s7;
	[dreg:$0x8] =	wrdreg s26;
	s19 =	simm.s32 $0x14100  }
0x15: {  	vm0 =	vmmov $0xffff;
	v5 =	vimm.f32 $0.0e+00;
	v3 =	vshrl.u32 v4, $0x3;
	s23 =	simm.s32 $0x1100;
	s26 =	simm.s32 $0x2900;
	[dreg:$0x5] =	wrdreg s25  }
0x16: {  	v2 =	vand.u32 $0x7, v4;
	v4 =	vor.u32 $0x8, v4;
	v3 =	vmul.u32 $0x8, v3;
	s7 =	simm.s32 $0x8100;
	[dreg:$0x6] =	wrdreg s1;
	s25 =	simm.s32 $0x2100  }
.LBB2_1:
0x17: {  	s21 =	rddreg [dreg:$0x3]  }
0x18: {  	[tilespmem:s2], [sflag:$0x2] =	stream.linear.gather [hbm4b:s21+s2], $0x100, $0x38;
	[tilespmem:$0x14200] =	vst v63  }
0x19: {  	_ =	swait.ge [sflag:s11], $0x100  }
0x1a: {  	[sflag:s11] =	ssyncset.done $0x0  }
0x1b: {  	[sflag:s11] =	ssyncadd.s32 $0xFFFFFF00  }
0x1c: {  	v6 =	vld [tilespmem:$0x0];
	_ =	sdelay $0x4  }
0x1d: {  	v7 =	vshll.u32 v6, $0x1  }
0x1e: {  	v6 =	vand.u32 $0x7, v6;
	v7 =	vand.u32 $0xFFFFFFF0, v7  }
0x1f: {  	v6 =	vor.u32 v6, v7  }
0x20: {  	v7 =	vperm.xlane v6, v2;
	_ =	sdelay $0x1  }
0x21: {  	v6 =	vperm.xlane v6, v4;
	v7 =	vadd.s32 v3, v7;
	_ =	sdelay $0x1  }
0x22: {  	v6 =	vadd.s32 v3, v6;
	_ =	sdelay $0x1  }
0x23: {  	s0 =	simm.s32 $0x100  }
0x24: {  	[tilespmem:s0], [sflag:$0x1] =	stream.indirect_vreg.gather [hbm4b:s3+s2], $0x80, v7, vm0, $0xb8;
	[tilespmem:$0x14200] =	vst v63  }
0x25: {  	s22 =	simm.s32 $0x900  }
0x26: {  	[tilespmem:s22], [sflag:$0x1] =	stream.indirect_vreg.gather [hbm4b:s3+s2], $0x80, v6, vm0, $0xb8;
	[tilespmem:$0x14200] =	vst v63  }
0x27: {  	v6 =	vld [tilespmem:$0x10];
	_ =	sdelay $0x4  }
0x28: {  	v7 =	vshll.u32 v6, $0x1  }
0x29: {  	v6 =	vand.u32 $0x7, v6;
	v7 =	vand.u32 $0xFFFFFFF0, v7  }
0x2a: {  	v6 =	vor.u32 v6, v7  }
0x2b: {  	v7 =	vperm.xlane v6, v2;
	_ =	sdelay $0x1  }
0x2c: {  	v6 =	vperm.xlane v6, v4;
	v7 =	vadd.s32 v3, v7;
	_ =	sdelay $0x1  }
0x2d: {  	v6 =	vadd.s32 v3, v6;
	_ =	sdelay $0x2  }
0x2e: {  	[tilespmem:s23], [sflag:$0x1] =	stream.indirect_vreg.gather [hbm4b:s3+s2], $0x80, v7, vm0, $0xb8;
	[tilespmem:$0x14200] =	vst v63  }
0x2f: {  	_ = 	snop  }
0x30: {  	[tilespmem:s24], [sflag:$0x1] =	stream.indirect_vreg.gather [hbm4b:s3+s2], $0x80, v6, vm0, $0xb8;
	[tilespmem:$0x14200] =	vst v63  }
0x31: {  	v6 =	vld [tilespmem:$0x20];
	_ =	sdelay $0x4  }
0x32: {  	v7 =	vshll.u32 v6, $0x1  }
0x33: {  	v6 =	vand.u32 $0x7, v6;
	v7 =	vand.u32 $0xFFFFFFF0, v7  }
0x34: {  	v6 =	vor.u32 v6, v7  }
0x35: {  	v7 =	vperm.xlane v6, v2;
	_ =	sdelay $0x1  }
0x36: {  	v6 =	vperm.xlane v6, v4;
	v7 =	vadd.s32 v3, v7;
	_ =	sdelay $0x1  }
0x37: {  	v6 =	vadd.s32 v3, v6;
	_ =	sdelay $0x2  }
0x38: {  	[tilespmem:s25], [sflag:$0x1] =	stream.indirect_vreg.gather [hbm4b:s3+s2], $0x80, v7, vm0, $0xb8;
	[tilespmem:$0x14200] =	vst v63  }
0x39: {  	_ = 	snop  }
0x3a: {  	[tilespmem:s26], [sflag:$0x1] =	stream.indirect_vreg.gather [hbm4b:s3+s2], $0x80, v6, vm0, $0xb8;
	[tilespmem:$0x14200] =	vst v63  }
0x3b: {  	v6 =	vld [tilespmem:$0x30];
	_ =	sdelay $0x4  }
0x3c: {  	v7 =	vshll.u32 v6, $0x1  }
0x3d: {  	v6 =	vand.u32 $0x7, v6;
	v7 =	vand.u32 $0xFFFFFFF0, v7  }
0x3e: {  	v6 =	vor.u32 v6, v7  }
0x3f: {  	v7 =	vperm.xlane v6, v2;
	_ =	sdelay $0x1  }
0x40: {  	v6 =	vperm.xlane v6, v4;
	v7 =	vadd.s32 v3, v7;
	_ =	sdelay $0x1  }
0x41: {  	v6 =	vadd.s32 v3, v6;
	_ =	sdelay $0x2  }
0x42: {  	[tilespmem:s28], [sflag:$0x1] =	stream.indirect_vreg.gather [hbm4b:s3+s2], $0x80, v7, vm0, $0xb8;
	[tilespmem:$0x14200] =	vst v63  }
0x43: {  	_ = 	snop  }
0x44: {  	[tilespmem:s29], [sflag:$0x1] =	stream.indirect_vreg.gather [hbm4b:s3+s2], $0x80, v6, vm0, $0xb8;
	[tilespmem:$0x14200] =	vst v63  }
0x45: {  	v6 =	vld [tilespmem:$0x40];
	_ =	sdelay $0x4  }
0x46: {  	v7 =	vshll.u32 v6, $0x1  }
0x47: {  	v6 =	vand.u32 $0x7, v6;
	v7 =	vand.u32 $0xFFFFFFF0, v7  }
0x48: {  	v6 =	vor.u32 v6, v7  }
0x49: {  	v7 =	vperm.xlane v6, v2;
	_ =	sdelay $0x1  }
0x4a: {  	v6 =	vperm.xlane v6, v4;
	v7 =	vadd.s32 v3, v7;
	_ =	sdelay $0x1  }
0x4b: {  	v6 =	vadd.s32 v3, v6;
	_ =	sdelay $0x2  }
0x4c: {  	[tilespmem:s30], [sflag:$0x1] =	stream.indirect_vreg.gather [hbm4b:s3+s2], $0x80, v7, vm0, $0xb8;
	[tilespmem:$0x14200] =	vst v63  }
0x4d: {  	_ = 	snop  }
0x4e: {  	[tilespmem:s31], [sflag:$0x1] =	stream.indirect_vreg.gather [hbm4b:s3+s2], $0x80, v6, vm0, $0xb8;
	[tilespmem:$0x14200] =	vst v63  }
0x4f: {  	v6 =	vld [tilespmem:$0x50];
	_ =	sdelay $0x4  }
0x50: {  	v7 =	vshll.u32 v6, $0x1  }
0x51: {  	v6 =	vand.u32 $0x7, v6;
	v7 =	vand.u32 $0xFFFFFFF0, v7  }
0x52: {  	v6 =	vor.u32 v6, v7  }
0x53: {  	v7 =	vperm.xlane v6, v2;
	_ =	sdelay $0x1  }
0x54: {  	v6 =	vperm.xlane v6, v4;
	v7 =	vadd.s32 v3, v7;
	_ =	sdelay $0x1  }
0x55: {  	v6 =	vadd.s32 v3, v6;
	_ =	sdelay $0x1  }
0x56: {  	s1 =	simm.s32 $0x5100  }
0x57: {  	[tilespmem:s1], [sflag:$0x1] =	stream.indirect_vreg.gather [hbm4b:s3+s2], $0x80, v7, vm0, $0xb8;
	[tilespmem:$0x14200] =	vst v63  }
0x58: {  	s20 =	simm.s32 $0x5900  }
0x59: {  	[tilespmem:s20], [sflag:$0x1] =	stream.indirect_vreg.gather [hbm4b:s3+s2], $0x80, v6, vm0, $0xb8;
	[tilespmem:$0x14200] =	vst v63  }
0x5a: {  	v6 =	vld [tilespmem:$0x60];
	_ =	sdelay $0x4  }
0x5b: {  	v7 =	vshll.u32 v6, $0x1  }
0x5c: {  	v6 =	vand.u32 $0x7, v6;
	v7 =	vand.u32 $0xFFFFFFF0, v7  }
0x5d: {  	v6 =	vor.u32 v6, v7  }
0x5e: {  	v7 =	vperm.xlane v6, v2;
	_ =	sdelay $0x1  }
0x5f: {  	v6 =	vperm.xlane v6, v4;
	v7 =	vadd.s32 v3, v7;
	_ =	sdelay $0x1  }
0x60: {  	v6 =	vadd.s32 v3, v6;
	_ =	sdelay $0x1  }
0x61: {  	s1 =	simm.s32 $0x6100  }
0x62: {  	[tilespmem:s1], [sflag:$0x1] =	stream.indirect_vreg.gather [hbm4b:s3+s2], $0x80, v7, vm0, $0xb8;
	[tilespmem:$0x14200] =	vst v63  }
0x63: {  	_ = 	snop  }
0x64: {  	[tilespmem:s5], [sflag:$0x1] =	stream.indirect_vreg.gather [hbm4b:s3+s2], $0x80, v6, vm0, $0xb8;
	[tilespmem:$0x14200] =	vst v63  }
0x65: {  	v6 =	vld [tilespmem:$0x70];
	_ =	sdelay $0x4  }
0x66: {  	v7 =	vshll.u32 v6, $0x1  }
0x67: {  	v6 =	vand.u32 $0x7, v6;
	v7 =	vand.u32 $0xFFFFFFF0, v7  }
0x68: {  	v6 =	vor.u32 v6, v7  }
0x69: {  	v7 =	vperm.xlane v6, v2;
	_ =	sdelay $0x1  }
0x6a: {  	v6 =	vperm.xlane v6, v4;
	v7 =	vadd.s32 v3, v7;
	_ =	sdelay $0x1  }
0x6b: {  	v6 =	vadd.s32 v3, v6;
	_ =	sdelay $0x2  }
0x6c: {  	[tilespmem:s6], [sflag:$0x1] =	stream.indirect_vreg.gather [hbm4b:s3+s2], $0x80, v7, vm0, $0xb8;
	[tilespmem:$0x14200] =	vst v63  }
0x6d: {  	_ = 	snop  }
0x6e: {  	[tilespmem:s13], [sflag:$0x1] =	stream.indirect_vreg.gather [hbm4b:s3+s2], $0x80, v6, vm0, $0xb8;
	[tilespmem:$0x14200] =	vst v63  }
0x6f: {  	v6 =	vld [tilespmem:$0x80];
	_ =	sdelay $0x4  }
0x70: {  	v7 =	vshll.u32 v6, $0x1  }
0x71: {  	v6 =	vand.u32 $0x7, v6;
	v7 =	vand.u32 $0xFFFFFFF0, v7  }
0x72: {  	v6 =	vor.u32 v6, v7  }
0x73: {  	v7 =	vperm.xlane v6, v2;
	_ =	sdelay $0x1  }
0x74: {  	v6 =	vperm.xlane v6, v4;
	v7 =	vadd.s32 v3, v7;
	_ =	sdelay $0x1  }
0x75: {  	v6 =	vadd.s32 v3, v6;
	_ =	sdelay $0x2  }
0x76: {  	[tilespmem:s7], [sflag:$0x1] =	stream.indirect_vreg.gather [hbm4b:s3+s2], $0x80, v7, vm0, $0xb8;
	[tilespmem:$0x14200] =	vst v63  }
0x77: {  	_ = 	snop  }
0x78: {  	[tilespmem:s14], [sflag:$0x1] =	stream.indirect_vreg.gather [hbm4b:s3+s2], $0x80, v6, vm0, $0xb8;
	[tilespmem:$0x14200] =	vst v63  }
0x79: {  	v6 =	vld [tilespmem:$0x90];
	_ =	sdelay $0x4  }
0x7a: {  	v7 =	vshll.u32 v6, $0x1  }
0x7b: {  	v6 =	vand.u32 $0x7, v6;
	v7 =	vand.u32 $0xFFFFFFF0, v7  }
0x7c: {  	v6 =	vor.u32 v6, v7  }
0x7d: {  	v7 =	vperm.xlane v6, v2;
	_ =	sdelay $0x1  }
0x7e: {  	v6 =	vperm.xlane v6, v4;
	v7 =	vadd.s32 v3, v7;
	_ =	sdelay $0x1  }
0x7f: {  	v6 =	vadd.s32 v3, v6;
	_ =	sdelay $0x2  }
0x80: {  	[tilespmem:s8], [sflag:$0x1] =	stream.indirect_vreg.gather [hbm4b:s3+s2], $0x80, v7, vm0, $0xb8;
	[tilespmem:$0x14200] =	vst v63  }
0x81: {  	_ = 	snop  }
0x82: {  	[tilespmem:s15], [sflag:$0x1] =	stream.indirect_vreg.gather [hbm4b:s3+s2], $0x80, v6, vm0, $0xb8;
	[tilespmem:$0x14200] =	vst v63  }
0x83: {  	v6 =	vld [tilespmem:$0xA0];
	_ =	sdelay $0x4  }
0x84: {  	v7 =	vshll.u32 v6, $0x1  }
0x85: {  	v6 =	vand.u32 $0x7, v6;
	v7 =	vand.u32 $0xFFFFFFF0, v7  }
0x86: {  	v6 =	vor.u32 v6, v7  }
0x87: {  	v7 =	vperm.xlane v6, v2;
	_ =	sdelay $0x1  }
0x88: {  	v6 =	vperm.xlane v6, v4;
	v7 =	vadd.s32 v3, v7;
	_ =	sdelay $0x1  }
0x89: {  	v6 =	vadd.s32 v3, v6;
	_ =	sdelay $0x2  }
0x8a: {  	[tilespmem:s16], [sflag:$0x1] =	stream.indirect_vreg.gather [hbm4b:s3+s2], $0x80, v7, vm0, $0xb8;
	[tilespmem:$0x14200] =	vst v63  }
0x8b: {  	_ = 	snop  }
0x8c: {  	[tilespmem:s9], [sflag:$0x1] =	stream.indirect_vreg.gather [hbm4b:s3+s2], $0x80, v6, vm0, $0xb8;
	[tilespmem:$0x14200] =	vst v63  }
0x8d: {  	v6 =	vld [tilespmem:$0xB0];
	_ =	sdelay $0x4  }
0x8e: {  	v7 =	vshll.u32 v6, $0x1  }
0x8f: {  	v6 =	vand.u32 $0x7, v6;
	v7 =	vand.u32 $0xFFFFFFF0, v7  }
0x90: {  	v6 =	vor.u32 v6, v7  }
0x91: {  	v7 =	vperm.xlane v6, v2;
	_ =	sdelay $0x1  }
0x92: {  	v6 =	vperm.xlane v6, v4;
	v7 =	vadd.s32 v3, v7;
	_ =	sdelay $0x1  }
0x93: {  	v6 =	vadd.s32 v3, v6;
	_ =	sdelay $0x2  }
0x94: {  	[tilespmem:s17], [sflag:$0x1] =	stream.indirect_vreg.gather [hbm4b:s3+s2], $0x80, v7, vm0, $0xb8;
	[tilespmem:$0x14200] =	vst v63  }
0x95: {  	_ = 	snop  }
0x96: {  	[tilespmem:s10], [sflag:$0x1] =	stream.indirect_vreg.gather [hbm4b:s3+s2], $0x80, v6, vm0, $0xb8;
	[tilespmem:$0x14200] =	vst v63  }
0x97: {  	v6 =	vld [tilespmem:$0xC0];
	_ =	sdelay $0x4  }
0x98: {  	v7 =	vshll.u32 v6, $0x1  }
0x99: {  	v6 =	vand.u32 $0x7, v6;
	v7 =	vand.u32 $0xFFFFFFF0, v7  }
0x9a: {  	v6 =	vor.u32 v6, v7  }
0x9b: {  	v7 =	vperm.xlane v6, v2;
	_ =	sdelay $0x1  }
0x9c: {  	v6 =	vperm.xlane v6, v4;
	v7 =	vadd.s32 v3, v7;
	_ =	sdelay $0x1  }
0x9d: {  	v6 =	vadd.s32 v3, v6;
	_ =	sdelay $0x2  }
0x9e: {  	[tilespmem:s12], [sflag:$0x1] =	stream.indirect_vreg.gather [hbm4b:s3+s2], $0x80, v7, vm0, $0xb8;
	[tilespmem:$0x14200] =	vst v63  }
0x9f: {  	_ = 	snop  }
0xa0: {  	[tilespmem:s18], [sflag:$0x1] =	stream.indirect_vreg.gather [hbm4b:s3+s2], $0x80, v6, vm0, $0xb8;
	[tilespmem:$0x14200] =	vst v63  }
0xa1: {  	v6 =	vld [tilespmem:$0xD0];
	_ =	sdelay $0x4  }
0xa2: {  	v7 =	vshll.u32 v6, $0x1  }
0xa3: {  	v6 =	vand.u32 $0x7, v6;
	v7 =	vand.u32 $0xFFFFFFF0, v7  }
0xa4: {  	v6 =	vor.u32 v6, v7  }
0xa5: {  	v7 =	vperm.xlane v6, v2;
	_ =	sdelay $0x1  }
0xa6: {  	v6 =	vperm.xlane v6, v4;
	v7 =	vadd.s32 v3, v7;
	_ =	sdelay $0x1  }
0xa7: {  	v6 =	vadd.s32 v3, v6;
	_ =	sdelay $0x1  }
0xa8: {  	s21 =	simm.s32 $0xD100  }
0xa9: {  	[tilespmem:s21], [sflag:$0x1] =	stream.indirect_vreg.gather [hbm4b:s3+s2], $0x80, v7, vm0, $0xb8;
	[tilespmem:$0x14200] =	vst v63  }
0xaa: {  	s20 =	simm.s32 $0xD900  }
0xab: {  	[tilespmem:s20], [sflag:$0x1] =	stream.indirect_vreg.gather [hbm4b:s3+s2], $0x80, v6, vm0, $0xb8;
	[tilespmem:$0x14200] =	vst v63  }
0xac: {  	v6 =	vld [tilespmem:$0xE0];
	_ =	sdelay $0x4  }
0xad: {  	v7 =	vshll.u32 v6, $0x1  }
0xae: {  	v6 =	vand.u32 $0x7, v6;
	v7 =	vand.u32 $0xFFFFFFF0, v7  }
0xaf: {  	v6 =	vor.u32 v6, v7  }
0xb0: {  	v7 =	vperm.xlane v6, v2;
	_ =	sdelay $0x1  }
0xb1: {  	v6 =	vperm.xlane v6, v4;
	v7 =	vadd.s32 v3, v7;
	_ =	sdelay $0x1  }
0xb2: {  	v6 =	vadd.s32 v3, v6;
	_ =	sdelay $0x1  }
0xb3: {  	s21 =	simm.s32 $0xE100  }
0xb4: {  	[tilespmem:s21], [sflag:$0x1] =	stream.indirect_vreg.gather [hbm4b:s3+s2], $0x80, v7, vm0, $0xb8;
	[tilespmem:$0x14200] =	vst v63  }
0xb5: {  	s20 =	simm.s32 $0xE900  }
0xb6: {  	[tilespmem:s20], [sflag:$0x1] =	stream.indirect_vreg.gather [hbm4b:s3+s2], $0x80, v6, vm0, $0xb8;
	[tilespmem:$0x14200] =	vst v63  }
0xb7: {  	v6 =	vld [tilespmem:$0xF0];
	_ =	sdelay $0x4  }
0xb8: {  	v7 =	vshll.u32 v6, $0x1  }
0xb9: {  	v6 =	vand.u32 $0x7, v6;
	v7 =	vand.u32 $0xFFFFFFF0, v7  }
0xba: {  	v6 =	vor.u32 v6, v7  }
0xbb: {  	v7 =	vperm.xlane v6, v2;
	_ =	sdelay $0x1  }
0xbc: {  	v6 =	vperm.xlane v6, v4;
	v7 =	vadd.s32 v3, v7;
	_ =	sdelay $0x1  }
0xbd: {  	v6 =	vadd.s32 v3, v6;
	_ =	sdelay $0x1  }
0xbe: {  	s21 =	simm.s32 $0xF100  }
0xbf: {  	[tilespmem:s21], [sflag:$0x1] =	stream.indirect_vreg.gather [hbm4b:s3+s2], $0x80, v7, vm0, $0xb8;
	[tilespmem:$0x14200] =	vst v63  }
0xc0: {  	s0 =	simm.s32 $0x1;
	s20 =	simm.s32 $0xF900  }
0xc1: {  	[tilespmem:s20], [sflag:$0x1] =	stream.indirect_vreg.gather [hbm4b:s3+s2], $0x80, v6, vm0, $0xb8;
	[tilespmem:$0x14200] =	vst v63  }
0xc2: {  	_ =	swait.ge [sflag:s0], $0x10000  }
0xc3: {  	[sflag:s0] =	ssyncset.done $0x0  }
0xc4: {  	s20 =	simm.s32 $0x100;
	s21 =	rddreg [dreg:$0x4];
	[sflag:s0] =	ssyncadd.s32 $0xFFFF0000  }
0xc5: {  	[hbm4b:s21+s2] =	stream.linear.scatter [tilespmem:s20], [sflag:$0x2], $0x10000, $0x38;
	[tilespmem:$0x14200] =	vst v63  }
0xc6: {  	_ =	swait.ge [sflag:s11], $0x10000  }
0xc7: {  	[sflag:s11] =	ssyncset.done $0x0  }
0xc8: {  	s21 =	rddreg [dreg:$0x5];
	[sflag:s11] =	ssyncadd.s32 $0xFFFF0000  }
0xc9: {  	[tilespmem:s2], [sflag:$0x2] =	stream.linear.gather [hbm4b:s21+s2], $0x100, $0x38;
	[tilespmem:$0x14200] =	vst v63  }
0xca: {  	_ =	swait.ge [sflag:s11], $0x100  }
0xcb: {  	[sflag:s11] =	ssyncset.done $0x0  }
0xcc: {  	[sflag:s11] =	ssyncadd.s32 $0xFFFFFF00  }
0xcd: {  	v6 =	vld [tilespmem:$0x0];
	_ =	sdelay $0x4  }
0xce: {  	v7 =	vshll.u32 v6, $0x1  }
0xcf: {  	v6 =	vand.u32 $0x7, v6;
	v7 =	vand.u32 $0xFFFFFFF0, v7  }
0xd0: {  	v6 =	vor.u32 v6, v7  }
0xd1: {  	v7 =	vperm.xlane v6, v2;
	_ =	sdelay $0x1  }
0xd2: {  	v6 =	vperm.xlane v6, v4;
	v7 =	vadd.s32 v3, v7;
	_ =	sdelay $0x1  }
0xd3: {  	v6 =	vadd.s32 v3, v6;
	_ =	sdelay $0x2  }
0xd4: {  	[tilespmem:s20], [sflag:$0x1] =	stream.indirect_vreg.gather [hbm4b:s3+s2], $0x80, v7, vm0, $0xb8;
	[tilespmem:$0x14200] =	vst v63  }
0xd5: {  	_ = 	snop  }
0xd6: {  	[tilespmem:s22], [sflag:$0x1] =	stream.indirect_vreg.gather [hbm4b:s3+s2], $0x80, v6, vm0, $0xb8;
	[tilespmem:$0x14200] =	vst v63  }
0xd7: {  	v6 =	vld [tilespmem:$0x10];
	_ =	sdelay $0x4  }
0xd8: {  	v7 =	vshll.u32 v6, $0x1  }
0xd9: {  	v6 =	vand.u32 $0x7, v6;
	v7 =	vand.u32 $0xFFFFFFF0, v7  }
0xda: {  	v6 =	vor.u32 v6, v7  }
0xdb: {  	v7 =	vperm.xlane v6, v2;
	_ =	sdelay $0x1  }
0xdc: {  	v6 =	vperm.xlane v6, v4;
	v7 =	vadd.s32 v3, v7;
	_ =	sdelay $0x1  }
0xdd: {  	v6 =	vadd.s32 v3, v6;
	_ =	sdelay $0x2  }
0xde: {  	[tilespmem:s23], [sflag:$0x1] =	stream.indirect_vreg.gather [hbm4b:s3+s2], $0x80, v7, vm0, $0xb8;
	[tilespmem:$0x14200] =	vst v63  }
0xdf: {  	_ = 	snop  }
0xe0: {  	[tilespmem:s24], [sflag:$0x1] =	stream.indirect_vreg.gather [hbm4b:s3+s2], $0x80, v6, vm0, $0xb8;
	[tilespmem:$0x14200] =	vst v63  }
0xe1: {  	v6 =	vld [tilespmem:$0x20];
	_ =	sdelay $0x4  }
0xe2: {  	v7 =	vshll.u32 v6, $0x1  }
0xe3: {  	v6 =	vand.u32 $0x7, v6;
	v7 =	vand.u32 $0xFFFFFFF0, v7  }
0xe4: {  	v6 =	vor.u32 v6, v7  }
0xe5: {  	v7 =	vperm.xlane v6, v2;
	_ =	sdelay $0x1  }
0xe6: {  	v6 =	vperm.xlane v6, v4;
	v7 =	vadd.s32 v3, v7;
	_ =	sdelay $0x1  }
0xe7: {  	v6 =	vadd.s32 v3, v6;
	_ =	sdelay $0x2  }
0xe8: {  	[tilespmem:s25], [sflag:$0x1] =	stream.indirect_vreg.gather [hbm4b:s3+s2], $0x80, v7, vm0, $0xb8;
	[tilespmem:$0x14200] =	vst v63  }
0xe9: {  	_ = 	snop  }
0xea: {  	[tilespmem:s26], [sflag:$0x1] =	stream.indirect_vreg.gather [hbm4b:s3+s2], $0x80, v6, vm0, $0xb8;
	[tilespmem:$0x14200] =	vst v63  }
0xeb: {  	v6 =	vld [tilespmem:$0x30];
	_ =	sdelay $0x4  }
0xec: {  	v7 =	vshll.u32 v6, $0x1  }
0xed: {  	v6 =	vand.u32 $0x7, v6;
	v7 =	vand.u32 $0xFFFFFFF0, v7  }
0xee: {  	v6 =	vor.u32 v6, v7  }
0xef: {  	v7 =	vperm.xlane v6, v2;
	_ =	sdelay $0x1  }
0xf0: {  	v6 =	vperm.xlane v6, v4;
	v7 =	vadd.s32 v3, v7;
	_ =	sdelay $0x1  }
0xf1: {  	v6 =	vadd.s32 v3, v6;
	_ =	sdelay $0x2  }
0xf2: {  	[tilespmem:s28], [sflag:$0x1] =	stream.indirect_vreg.gather [hbm4b:s3+s2], $0x80, v7, vm0, $0xb8;
	[tilespmem:$0x14200] =	vst v63  }
0xf3: {  	_ = 	snop  }
0xf4: {  	[tilespmem:s29], [sflag:$0x1] =	stream.indirect_vreg.gather [hbm4b:s3+s2], $0x80, v6, vm0, $0xb8;
	[tilespmem:$0x14200] =	vst v63  }
0xf5: {  	v6 =	vld [tilespmem:$0x40];
	_ =	sdelay $0x4  }
0xf6: {  	v7 =	vshll.u32 v6, $0x1  }
0xf7: {  	v6 =	vand.u32 $0x7, v6;
	v7 =	vand.u32 $0xFFFFFFF0, v7  }
0xf8: {  	v6 =	vor.u32 v6, v7  }
0xf9: {  	v7 =	vperm.xlane v6, v2;
	_ =	sdelay $0x1  }
0xfa: {  	v6 =	vperm.xlane v6, v4;
	v7 =	vadd.s32 v3, v7;
	_ =	sdelay $0x1  }
0xfb: {  	v6 =	vadd.s32 v3, v6;
	_ =	sdelay $0x2  }
0xfc: {  	[tilespmem:s30], [sflag:$0x1] =	stream.indirect_vreg.gather [hbm4b:s3+s2], $0x80, v7, vm0, $0xb8;
	[tilespmem:$0x14200] =	vst v63  }
0xfd: {  	_ = 	snop  }
0xfe: {  	[tilespmem:s31], [sflag:$0x1] =	stream.indirect_vreg.gather [hbm4b:s3+s2], $0x80, v6, vm0, $0xb8;
	[tilespmem:$0x14200] =	vst v63  }
0xff: {  	v6 =	vld [tilespmem:$0x50];
	_ =	sdelay $0x4  }
0x100: {  	v7 =	vshll.u32 v6, $0x1  }
0x101: {  	v6 =	vand.u32 $0x7, v6;
	v7 =	vand.u32 $0xFFFFFFF0, v7  }
0x102: {  	v6 =	vor.u32 v6, v7  }
0x103: {  	v7 =	vperm.xlane v6, v2;
	_ =	sdelay $0x1  }
0x104: {  	v6 =	vperm.xlane v6, v4;
	v7 =	vadd.s32 v3, v7;
	_ =	sdelay $0x1  }
0x105: {  	v6 =	vadd.s32 v3, v6;
	_ =	sdelay $0x1  }
0x106: {  	s21 =	simm.s32 $0x5100  }
0x107: {  	[tilespmem:s21], [sflag:$0x1] =	stream.indirect_vreg.gather [hbm4b:s3+s2], $0x80, v7, vm0, $0xb8;
	[tilespmem:$0x14200] =	vst v63  }
0x108: {  	s22 =	simm.s32 $0x5900  }
0x109: {  	[tilespmem:s22], [sflag:$0x1] =	stream.indirect_vreg.gather [hbm4b:s3+s2], $0x80, v6, vm0, $0xb8;
	[tilespmem:$0x14200] =	vst v63  }
0x10a: {  	v6 =	vld [tilespmem:$0x60];
	_ =	sdelay $0x4  }
0x10b: {  	v7 =	vshll.u32 v6, $0x1  }
0x10c: {  	v6 =	vand.u32 $0x7, v6;
	v7 =	vand.u32 $0xFFFFFFF0, v7  }
0x10d: {  	v6 =	vor.u32 v6, v7  }
0x10e: {  	v7 =	vperm.xlane v6, v2;
	_ =	sdelay $0x1  }
0x10f: {  	v6 =	vperm.xlane v6, v4;
	v7 =	vadd.s32 v3, v7;
	_ =	sdelay $0x1  }
0x110: {  	v6 =	vadd.s32 v3, v6;
	_ =	sdelay $0x2  }
0x111: {  	[tilespmem:s1], [sflag:$0x1] =	stream.indirect_vreg.gather [hbm4b:s3+s2], $0x80, v7, vm0, $0xb8;
	[tilespmem:$0x14200] =	vst v63  }
0x112: {  	_ = 	snop  }
0x113: {  	[tilespmem:s5], [sflag:$0x1] =	stream.indirect_vreg.gather [hbm4b:s3+s2], $0x80, v6, vm0, $0xb8;
	[tilespmem:$0x14200] =	vst v63  }
0x114: {  	v6 =	vld [tilespmem:$0x70];
	_ =	sdelay $0x4  }
0x115: {  	v7 =	vshll.u32 v6, $0x1  }
0x116: {  	v6 =	vand.u32 $0x7, v6;
	v7 =	vand.u32 $0xFFFFFFF0, v7  }
0x117: {  	v6 =	vor.u32 v6, v7  }
0x118: {  	v7 =	vperm.xlane v6, v2;
	_ =	sdelay $0x1  }
0x119: {  	v6 =	vperm.xlane v6, v4;
	v7 =	vadd.s32 v3, v7;
	_ =	sdelay $0x1  }
0x11a: {  	v6 =	vadd.s32 v3, v6;
	_ =	sdelay $0x2  }
0x11b: {  	[tilespmem:s6], [sflag:$0x1] =	stream.indirect_vreg.gather [hbm4b:s3+s2], $0x80, v7, vm0, $0xb8;
	[tilespmem:$0x14200] =	vst v63  }
0x11c: {  	_ = 	snop  }
0x11d: {  	[tilespmem:s13], [sflag:$0x1] =	stream.indirect_vreg.gather [hbm4b:s3+s2], $0x80, v6, vm0, $0xb8;
	[tilespmem:$0x14200] =	vst v63  }
0x11e: {  	v6 =	vld [tilespmem:$0x80];
	_ =	sdelay $0x4  }
0x11f: {  	v7 =	vshll.u32 v6, $0x1  }
0x120: {  	v6 =	vand.u32 $0x7, v6;
	v7 =	vand.u32 $0xFFFFFFF0, v7  }
0x121: {  	v6 =	vor.u32 v6, v7  }
0x122: {  	v7 =	vperm.xlane v6, v2;
	_ =	sdelay $0x1  }
0x123: {  	v6 =	vperm.xlane v6, v4;
	v7 =	vadd.s32 v3, v7;
	_ =	sdelay $0x1  }
0x124: {  	v6 =	vadd.s32 v3, v6;
	_ =	sdelay $0x2  }
0x125: {  	[tilespmem:s7], [sflag:$0x1] =	stream.indirect_vreg.gather [hbm4b:s3+s2], $0x80, v7, vm0, $0xb8;
	[tilespmem:$0x14200] =	vst v63  }
0x126: {  	_ = 	snop  }
0x127: {  	[tilespmem:s14], [sflag:$0x1] =	stream.indirect_vreg.gather [hbm4b:s3+s2], $0x80, v6, vm0, $0xb8;
	[tilespmem:$0x14200] =	vst v63  }
0x128: {  	v6 =	vld [tilespmem:$0x90];
	_ =	sdelay $0x4  }
0x129: {  	v7 =	vshll.u32 v6, $0x1  }
0x12a: {  	v6 =	vand.u32 $0x7, v6;
	v7 =	vand.u32 $0xFFFFFFF0, v7  }
0x12b: {  	v6 =	vor.u32 v6, v7  }
0x12c: {  	v7 =	vperm.xlane v6, v2;
	_ =	sdelay $0x1  }
0x12d: {  	v6 =	vperm.xlane v6, v4;
	v7 =	vadd.s32 v3, v7;
	_ =	sdelay $0x1  }
0x12e: {  	v6 =	vadd.s32 v3, v6;
	_ =	sdelay $0x2  }
0x12f: {  	[tilespmem:s8], [sflag:$0x1] =	stream.indirect_vreg.gather [hbm4b:s3+s2], $0x80, v7, vm0, $0xb8;
	[tilespmem:$0x14200] =	vst v63  }
0x130: {  	_ = 	snop  }
0x131: {  	[tilespmem:s15], [sflag:$0x1] =	stream.indirect_vreg.gather [hbm4b:s3+s2], $0x80, v6, vm0, $0xb8;
	[tilespmem:$0x14200] =	vst v63  }
0x132: {  	v6 =	vld [tilespmem:$0xA0];
	_ =	sdelay $0x4  }
0x133: {  	v7 =	vshll.u32 v6, $0x1  }
0x134: {  	v6 =	vand.u32 $0x7, v6;
	v7 =	vand.u32 $0xFFFFFFF0, v7  }
0x135: {  	v6 =	vor.u32 v6, v7  }
0x136: {  	v7 =	vperm.xlane v6, v2;
	_ =	sdelay $0x1  }
0x137: {  	v6 =	vperm.xlane v6, v4;
	v7 =	vadd.s32 v3, v7;
	_ =	sdelay $0x1  }
0x138: {  	v6 =	vadd.s32 v3, v6;
	_ =	sdelay $0x2  }
0x139: {  	[tilespmem:s16], [sflag:$0x1] =	stream.indirect_vreg.gather [hbm4b:s3+s2], $0x80, v7, vm0, $0xb8;
	[tilespmem:$0x14200] =	vst v63  }
0x13a: {  	_ = 	snop  }
0x13b: {  	[tilespmem:s9], [sflag:$0x1] =	stream.indirect_vreg.gather [hbm4b:s3+s2], $0x80, v6, vm0, $0xb8;
	[tilespmem:$0x14200] =	vst v63  }
0x13c: {  	v6 =	vld [tilespmem:$0xB0];
	_ =	sdelay $0x4  }
0x13d: {  	v7 =	vshll.u32 v6, $0x1  }
0x13e: {  	v6 =	vand.u32 $0x7, v6;
	v7 =	vand.u32 $0xFFFFFFF0, v7  }
0x13f: {  	v6 =	vor.u32 v6, v7  }
0x140: {  	v7 =	vperm.xlane v6, v2;
	_ =	sdelay $0x1  }
0x141: {  	v6 =	vperm.xlane v6, v4;
	v7 =	vadd.s32 v3, v7;
	_ =	sdelay $0x1  }
0x142: {  	v6 =	vadd.s32 v3, v6;
	_ =	sdelay $0x2  }
0x143: {  	[tilespmem:s17], [sflag:$0x1] =	stream.indirect_vreg.gather [hbm4b:s3+s2], $0x80, v7, vm0, $0xb8;
	[tilespmem:$0x14200] =	vst v63  }
0x144: {  	_ = 	snop  }
0x145: {  	[tilespmem:s10], [sflag:$0x1] =	stream.indirect_vreg.gather [hbm4b:s3+s2], $0x80, v6, vm0, $0xb8;
	[tilespmem:$0x14200] =	vst v63  }
0x146: {  	v6 =	vld [tilespmem:$0xC0];
	_ =	sdelay $0x4  }
0x147: {  	v7 =	vshll.u32 v6, $0x1  }
0x148: {  	v6 =	vand.u32 $0x7, v6;
	v7 =	vand.u32 $0xFFFFFFF0, v7  }
0x149: {  	v6 =	vor.u32 v6, v7  }
0x14a: {  	v7 =	vperm.xlane v6, v2;
	_ =	sdelay $0x1  }
0x14b: {  	v6 =	vperm.xlane v6, v4;
	v7 =	vadd.s32 v3, v7;
	_ =	sdelay $0x1  }
0x14c: {  	v6 =	vadd.s32 v3, v6;
	_ =	sdelay $0x2  }
0x14d: {  	[tilespmem:s12], [sflag:$0x1] =	stream.indirect_vreg.gather [hbm4b:s3+s2], $0x80, v7, vm0, $0xb8;
	[tilespmem:$0x14200] =	vst v63  }
0x14e: {  	_ = 	snop  }
0x14f: {  	[tilespmem:s18], [sflag:$0x1] =	stream.indirect_vreg.gather [hbm4b:s3+s2], $0x80, v6, vm0, $0xb8;
	[tilespmem:$0x14200] =	vst v63  }
0x150: {  	v6 =	vld [tilespmem:$0xD0];
	_ =	sdelay $0x4  }
0x151: {  	v7 =	vshll.u32 v6, $0x1  }
0x152: {  	v6 =	vand.u32 $0x7, v6;
	v7 =	vand.u32 $0xFFFFFFF0, v7  }
0x153: {  	v6 =	vor.u32 v6, v7  }
0x154: {  	v7 =	vperm.xlane v6, v2;
	_ =	sdelay $0x1  }
0x155: {  	v6 =	vperm.xlane v6, v4;
	v7 =	vadd.s32 v3, v7;
	_ =	sdelay $0x1  }
0x156: {  	v6 =	vadd.s32 v3, v6;
	_ =	sdelay $0x1  }
0x157: {  	s20 =	simm.s32 $0xD100  }
0x158: {  	[tilespmem:s20], [sflag:$0x1] =	stream.indirect_vreg.gather [hbm4b:s3+s2], $0x80, v7, vm0, $0xb8;
	[tilespmem:$0x14200] =	vst v63  }
0x159: {  	s21 =	simm.s32 $0xD900  }
0x15a: {  	[tilespmem:s21], [sflag:$0x1] =	stream.indirect_vreg.gather [hbm4b:s3+s2], $0x80, v6, vm0, $0xb8;
	[tilespmem:$0x14200] =	vst v63  }
0x15b: {  	v6 =	vld [tilespmem:$0xE0];
	_ =	sdelay $0x4  }
0x15c: {  	v7 =	vshll.u32 v6, $0x1  }
0x15d: {  	v6 =	vand.u32 $0x7, v6;
	v7 =	vand.u32 $0xFFFFFFF0, v7  }
0x15e: {  	v6 =	vor.u32 v6, v7  }
0x15f: {  	v7 =	vperm.xlane v6, v2;
	_ =	sdelay $0x1  }
0x160: {  	v6 =	vperm.xlane v6, v4;
	v7 =	vadd.s32 v3, v7;
	_ =	sdelay $0x1  }
0x161: {  	v6 =	vadd.s32 v3, v6;
	_ =	sdelay $0x1  }
0x162: {  	s22 =	simm.s32 $0xE100  }
0x163: {  	[tilespmem:s22], [sflag:$0x1] =	stream.indirect_vreg.gather [hbm4b:s3+s2], $0x80, v7, vm0, $0xb8;
	[tilespmem:$0x14200] =	vst v63  }
0x164: {  	s20 =	simm.s32 $0xE900  }
0x165: {  	[tilespmem:s20], [sflag:$0x1] =	stream.indirect_vreg.gather [hbm4b:s3+s2], $0x80, v6, vm0, $0xb8;
	[tilespmem:$0x14200] =	vst v63  }
0x166: {  	v6 =	vld [tilespmem:$0xF0];
	_ =	sdelay $0x4  }
0x167: {  	v7 =	vshll.u32 v6, $0x1  }
0x168: {  	v6 =	vand.u32 $0x7, v6;
	v7 =	vand.u32 $0xFFFFFFF0, v7  }
0x169: {  	v6 =	vor.u32 v6, v7  }
0x16a: {  	v7 =	vperm.xlane v6, v2;
	_ =	sdelay $0x1  }
0x16b: {  	v6 =	vperm.xlane v6, v4;
	v7 =	vadd.s32 v3, v7;
	_ =	sdelay $0x1  }
0x16c: {  	v6 =	vadd.s32 v3, v6;
	_ =	sdelay $0x1  }
0x16d: {  	s21 =	simm.s32 $0xF100  }
0x16e: {  	[tilespmem:s21], [sflag:$0x1] =	stream.indirect_vreg.gather [hbm4b:s3+s2], $0x80, v7, vm0, $0xb8;
	[tilespmem:$0x14200] =	vst v63  }
0x16f: {  	s22 =	simm.s32 $0xF900  }
0x170: {  	[tilespmem:s22], [sflag:$0x1] =	stream.indirect_vreg.gather [hbm4b:s3+s2], $0x80, v6, vm0, $0xb8;
	[tilespmem:$0x14200] =	vst v63  }
0x171: {  	_ =	swait.ge [sflag:s0], $0x10000  }
0x172: {  	[sflag:s0] =	ssyncset.done $0x0  }
0x173: {  	s20 =	simm.s32 $0x100;
	s1 =	rddreg [dreg:$0x6];
	[sflag:s0] =	ssyncadd.s32 $0xFFFF0000  }
0x174: {  	[hbm4b:s1+s2] =	stream.linear.scatter [tilespmem:s20], [sflag:$0x2], $0x10000, $0x38;
	[tilespmem:$0x14200] =	vst v63  }
0x175: {  	_ =	swait.ge [sflag:s11], $0x10000  }
0x176: {  	[sflag:s11] =	ssyncset.done $0x0  }
0x177: {  	s22 =	simm.s32 $0x10100;
	s21 =	rddreg [dreg:$0x9];
	[sflag:s11] =	ssyncadd.s32 $0xFFFF0000  }
0x178: {  	[tilespmem:s22], [sflag:$0x2] =	stream.linear.gather [hbm4b:s21+s2], $0x4000, $0x38;
	[tilespmem:$0x14200] =	vst v63  }
0x179: {  	_ =	swait.ge [sflag:s11], $0x4000  }
0x17a: {  	[sflag:s11] =	ssyncset.done $0x0  }
0x17b: {  	[sflag:s11] =	ssyncadd.s32 $0xFFFFC000  }
0x17c: {  	[tilespmem:$0x14100] =	vst v5  }
0x17d: {  	[tilespmem:$0x14110] =	vst v5  }
0x17e: {  	[tilespmem:$0x14120] =	vst v5  }
0x17f: {  	[tilespmem:$0x14130] =	vst v5  }
0x180: {  	[tilespmem:$0x14140] =	vst v5  }
0x181: {  	[tilespmem:$0x14150] =	vst v5  }
0x182: {  	[tilespmem:$0x14160] =	vst v5  }
0x183: {  	[tilespmem:$0x14170] =	vst v5  }
0x184: {  	[tilespmem:$0x14180] =	vst v5  }
0x185: {  	[tilespmem:$0x14190] =	vst v5  }
0x186: {  	[tilespmem:$0x141A0] =	vst v5  }
0x187: {  	[tilespmem:$0x141B0] =	vst v5  }
0x188: {  	[tilespmem:$0x141C0] =	vst v5  }
0x189: {  	[tilespmem:$0x141D0] =	vst v5  }
0x18a: {  	[tilespmem:$0x141E0] =	vst v5  }
0x18b: {  	s21 =	simm.s32 $0xFFFFFFFC;
	s22 =	simm.s32 $0x10120;
	[tilespmem:$0x141F0] =	vst v5  }
.LBB2_2:
0x18c: {  	v6 =	vld [tilespmem:s22+$0xFFFFFFE0];
	_ =	sdelay $0x4  }
0x18d: {  	vm1 =	vge.s32 v6, v0;
	vm2 =	vlt.s32 v6, v1  }
0x18e: {  	v6 =	vsub.s32 v6, v0;
	vm1 =	vmand vm1, vm2  }
0x18f: {  	v6 =	vnsel vm1, $0x0, v6;
	_ =	sdelay $0x3  }
0x190: {  	v7 =	vsel vm1, $0x3F800000, v5  }
0x191: {  	[tilespmem:v6+s19+$0x0] =	vst.idx.add.f32.msk $0xffff, v7  }
0x192: {  	v6 =	vld [tilespmem:s22+$0xFFFFFFF0];
	_ =	sdelay $0x4  }
0x193: {  	vm1 =	vge.s32 v6, v0;
	vm2 =	vlt.s32 v6, v1  }
0x194: {  	v6 =	vsub.s32 v6, v0;
	vm1 =	vmand vm1, vm2  }
0x195: {  	v6 =	vnsel vm1, $0x0, v6;
	_ =	sdelay $0x3  }
0x196: {  	v7 =	vsel vm1, $0x3F800000, v5  }
0x197: {  	[tilespmem:v6+s19+$0x0] =	vst.idx.add.f32.msk $0xffff, v7  }
0x198: {  	v6 =	vld [tilespmem:s22+$0x0];
	_ =	sdelay $0x4  }
0x199: {  	vm1 =	vge.s32 v6, v0;
	vm2 =	vlt.s32 v6, v1  }
0x19a: {  	v6 =	vsub.s32 v6, v0;
	vm1 =	vmand vm1, vm2  }
0x19b: {  	v6 =	vnsel vm1, $0x0, v6;
	_ =	sdelay $0x3  }
0x19c: {  	v7 =	vsel vm1, $0x3F800000, v5  }
0x19d: {  	[tilespmem:v6+s19+$0x0] =	vst.idx.add.f32.msk $0xffff, v7  }
0x19e: {  	v6 =	vld [tilespmem:s22+$0x10];
	_ =	sdelay $0x4  }
0x19f: {  	vm1 =	vge.s32 v6, v0;
	vm2 =	vlt.s32 v6, v1  }
0x1a0: {  	s21 =	sadd.s32 $0x4, s21;
	v6 =	vsub.s32 v6, v0;
	vm1 =	vmand vm1, vm2  }
0x1a1: {  	p0 =	slt.u32 s21, $0x3FC;
	v6 =	vnsel vm1, $0x0, v6  }
.Ltmp0:
0x1a2: {  	_ = 	snop;
	(pc) =	sbr.rel @p0 .LBB2_2-.Ltmp0, $3  }
0x1a3: {  	_ =	sdelay $0x1  }
0x1a4: {  	v7 =	vsel vm1, $0x3F800000, v5  }
0x1a5: {  	s22 =	sadd.s32 $0x40, s22;
	[tilespmem:v6+s19+$0x0] =	vst.idx.add.f32.msk $0xffff, v7  }
0x1a6: {  	s21 =	rddreg [dreg:$0x7]  }
0x1a7: {  	[hbm4b:s21+s2] =	stream.linear.scatter [tilespmem:s19], [sflag:$0x2], $0x100, $0x38;
	[tilespmem:$0x14200] =	vst v63  }
0x1a8: {  	_ =	swait.ge [sflag:s11], $0x100  }
0x1a9: {  	s4 =	sadd.s32 $0x1, s4;
	s22 =	rddreg [dreg:$0x8]  }
0x1aa: {  	p0 =	sne.s32 s4, s22  }
.Ltmp1:
0x1ab: {  	_ = 	snop;
	(pc) =	sbr.rel @p0 .LBB2_1-.Ltmp1, $3  }
0x1ac: {  	_ =	sdelay $0x1  }
0x1ad: {  	[sflag:s11] =	ssyncset.done $0x0  }
0x1ae: {  	[sflag:s11] =	ssyncadd.s32 $0xFFFFFF00  }
0x1af: {  	_ =	sfence.sel $0x180000  }
0x1b0: {  	[bflag:$0x0] =	sbarrier.arrive $0xFFFF  }
0x1b1: {  	_ =	strace $0x90000047  }
0x1b2: {  	s0 =	stileid.u32;
	[bflag:$0x2] =	sbarrier.arrive $0xFFFF  }
0x1b3: {  	p0 =	sne.s32 s0, $0x0;
	s0 =	rddreg [dreg:$0x2]  }
0x1b4: {  	s0 =	sadd.s32 @!p0 $0x100000, s0  }
0x1b5: {  	[sflag:s0] =	ssyncadd.tile.s32 @!p0 $0x1;
	_ =	shalt  }
.Lfunc_end2:
_tile_overlayer_lowered:
.L_overlay_start_2:
0x1b6: {  	(tag) =	ssettag $0x2  }
0x1b7: {  	s0 =	rddreg [dreg:$0x0];
	s2 =	stileid.u32  }
0x1b8: {  	s1 =	rddreg [dreg:$0x1];
	p0 =	sne.s32 s2, $0x0  }
0x1b9: {  	s3 =	rddreg [dreg:$0x2];
	[bflag:$0x3] =	sbarrier.arrive $0xFFFF;
	s2 =	simm.s32 @!p0 $0x1C02  }
0x1ba: {  	[timem:s3], [sflag:s2] =	dma.local @!p0 [hbm:s0], s1  }
0x1bb: {  	s0 =	simm.s32 @!p0 $0x2  }
0x1bc: {  	_ =	swait.ge @!p0 [sflag:s0], s1  }
0x1bd: {  	s1 =	ssub.s32 @!p0 $0x0, s1;
	[sflag:s0] =	ssyncset.done @!p0 $0x0  }
0x1be: {  	[sflag:s0] =	ssyncadd.s32 @!p0 s1  }
0x1bf: {  	[bflag:$0x3] =	sbarrier.arrive $0xFFFF  }
0x1c0: {  	_ =	shalt  }

</sc_bundles>
